<compile_context>
chip_gen: v7x
topology: tpu7x:2x2x1
jax: 0.10.2.dev20260603
libtpu: 0.0.44.dev20260713+nightly
codegen_flags: <defaults>
</compile_context>

<pallas_src>
import functools

import jax
import jax.numpy as jnp
from jax import lax
from jax.experimental import pallas as pl
from jax.experimental.pallas import tpu as pltpu
from jax.experimental.pallas import tpu_sc as plsc

D = 128
CHUNK = 128
G = 1
NBUF = 7

_info = plsc.get_sparse_core_info()
NC, NS = _info.num_cores, _info.num_subcores
NW = NC * NS


@functools.partial(jax.jit, static_argnums=(2, 3))
def _sc_gather(table, idx_flat, batch, hist):
    n_chunks = hist // G
    per_w = CHUNK * hist
    mesh = plsc.VectorSubcoreMesh(core_axis_name="c", subcore_axis_name="s")

    @functools.partial(
        pl.kernel,
        mesh=mesh,
        out_type=jax.ShapeDtypeStruct((hist, batch, D), jnp.float32),
        scratch_types=[
            pltpu.VMEM((per_w,), jnp.int32),
        ]
        + [pltpu.VMEM((G * CHUNK, D), jnp.float32)] * NBUF
        + [pltpu.SemaphoreType.DMA] * (2 * NBUF),
    )
    def k(table_hbm, idx_hbm, out_hbm, idx_v, *bufs_sems):
        bufs = bufs_sems[:NBUF]
        gsem = bufs_sems[NBUF : 2 * NBUF]
        wsem = bufs_sems[2 * NBUF :]
        wid = lax.axis_index("s") * NC + lax.axis_index("c")
        base_b = wid * CHUNK
        pltpu.sync_copy(idx_hbm.at[pl.ds(wid * per_w, per_w)], idx_v)

        def g_start(p, b):
            pltpu.async_copy(
                table_hbm.at[idx_v.at[pl.ds(p * G * CHUNK, G * CHUNK)]],
                bufs[b],
                gsem[b],
            )

        def g_wait(b):
            pltpu.make_async_copy(
                table_hbm.at[idx_v.at[pl.ds(0, G * CHUNK)]], bufs[b], gsem[b]
            ).wait()

        def w_start(p, b):
            for gg in range(G):
                pltpu.async_copy(
                    bufs[b].at[pl.ds(gg * CHUNK, CHUNK)],
                    out_hbm.at[p * G + gg, pl.ds(base_b, CHUNK)],
                    wsem[b],
                )

        def w_wait(b):
            for gg in range(G):
                pltpu.make_async_copy(
                    bufs[b].at[pl.ds(gg * CHUNK, CHUNK)],
                    out_hbm.at[0, pl.ds(base_b, CHUNK)],
                    wsem[b],
                ).wait()

        for h in range(NBUF):
            g_start(h, h)
        g_wait(0)
        w_start(0, 0)

        def body(j, carry):
            h0 = NBUF * j + 1
            for t in range(NBUF):
                h = h0 + t
                b = (1 + t) % NBUF
                bp = t % NBUF
                g_wait(b)
                w_start(h, b)
                w_wait(bp)
                g_start(h + NBUF - 1, bp)
            return carry

        n_steady = (n_chunks - NBUF) // NBUF
        lax.fori_loop(0, n_steady, body, 0)

        for h in range(n_steady * NBUF + 1, n_chunks):
            b = h % NBUF
            g_wait(b)
            w_start(h, b)
            if h + NBUF - 1 < n_chunks:
                bp = (h - 1) % NBUF
                w_wait(bp)
                g_start(h + NBUF - 1, bp)
        for h in range(n_chunks - NBUF, n_chunks):
            w_wait(h % NBUF)

    return k(table, idx_flat)


def kernel(inputs, embeddings):
    batch, hist = inputs.shape
    idx = inputs.astype(jnp.int32)
    idx_arr = (
        idx.reshape(NW, CHUNK, hist).transpose(0, 2, 1).reshape(-1)
    )
    out = _sc_gather(embeddings, idx_arr, batch, hist)
    return out.transpose(1, 0, 2)

# --- scband reference (transcript-rebuilt; emitter-appended) ---
"""Pipeline reference for scband-on-device-embedding-layer-3427383902241 (READ-ONLY COPY).

The authoritative reference and input builder live on the scoring server;
editing this copy changes nothing except your own understanding.
"""

import jax, jax.numpy as jnp
import numpy as np

VOCAB_SIZE = 100000
EMBED_WIDTH = 128
BATCH = 4096
HIST = 50

def setup_inputs(seed: int = 0) -> dict:
    key = jax.random.key(seed)
    k_idx, k_tab = jax.random.split(key)
    inputs = jax.random.randint(k_idx, (BATCH, HIST), 0, VOCAB_SIZE, dtype=jnp.int64 if jax.config.jax_enable_x64 else jnp.int32)
    # glorot_uniform init for embedding table
    limit = np.sqrt(6.0 / (VOCAB_SIZE + EMBED_WIDTH))
    embeddings = jax.random.uniform(k_tab, (VOCAB_SIZE, EMBED_WIDTH), dtype=jnp.float32, minval=-limit, maxval=limit)
    return {"inputs": inputs, "embeddings": embeddings}

def reference(inputs, embeddings):
    # Faithful translation of OnDeviceEmbeddingLayer.call with use_one_hot=False
    flat_inputs = jnp.reshape(inputs, (-1,))
    emb = jnp.take(embeddings, flat_inputs, axis=0)
    out = jnp.reshape(emb, inputs.shape + (EMBED_WIDTH,))
    return out

if __name__ == "__main__":
    import jax
    _d = setup_inputs()
    print(jax.jit(kernel)(*tuple(_d.values())))

</pallas_src>

<mosaic_0001>
#map = affine_map<(d0, d1) -> (0, 0)>
#map1 = affine_map<(d0, d1) -> (0)>
#map2 = affine_map<(d0, d1) -> (0, 0, 0)>
module attributes {stable_mosaic.version = 14 : i64} {
  func.func @k(%arg0: i32, %arg1: i32, %arg2: memref<100000x128xf32, #tpu.memory_space<hbm>>, %arg3: memref<204800xi32, #tpu.memory_space<hbm>>, %arg4: memref<50x4096x128xf32, #tpu.memory_space<hbm>>, %arg5: memref<6400xi32, #tpu.memory_space<vmem>>, %arg6: memref<128x128xf32, #tpu.memory_space<vmem>>, %arg7: memref<128x128xf32, #tpu.memory_space<vmem>>, %arg8: memref<128x128xf32, #tpu.memory_space<vmem>>, %arg9: memref<128x128xf32, #tpu.memory_space<vmem>>, %arg10: memref<128x128xf32, #tpu.memory_space<vmem>>, %arg11: memref<128x128xf32, #tpu.memory_space<vmem>>, %arg12: memref<128x128xf32, #tpu.memory_space<vmem>>, %arg13: memref<!tpu.dma_semaphore, #tpu.memory_space<semaphore_mem>>, %arg14: memref<!tpu.dma_semaphore, #tpu.memory_space<semaphore_mem>>, %arg15: memref<!tpu.dma_semaphore, #tpu.memory_space<semaphore_mem>>, %arg16: memref<!tpu.dma_semaphore, #tpu.memory_space<semaphore_mem>>, %arg17: memref<!tpu.dma_semaphore, #tpu.memory_space<semaphore_mem>>, %arg18: memref<!tpu.dma_semaphore, #tpu.memory_space<semaphore_mem>>, %arg19: memref<!tpu.dma_semaphore, #tpu.memory_space<semaphore_mem>>, %arg20: memref<!tpu.dma_semaphore, #tpu.memory_space<semaphore_mem>>, %arg21: memref<!tpu.dma_semaphore, #tpu.memory_space<semaphore_mem>>, %arg22: memref<!tpu.dma_semaphore, #tpu.memory_space<semaphore_mem>>, %arg23: memref<!tpu.dma_semaphore, #tpu.memory_space<semaphore_mem>>, %arg24: memref<!tpu.dma_semaphore, #tpu.memory_space<semaphore_mem>>, %arg25: memref<!tpu.dma_semaphore, #tpu.memory_space<semaphore_mem>>, %arg26: memref<!tpu.dma_semaphore, #tpu.memory_space<semaphore_mem>>) attributes {dimension_semantics = [#tpu.dimension_semantics<core_parallel>, #tpu.dimension_semantics<subcore_parallel>], iteration_bounds = array<i64: 2, 16>, scalar_prefetch = 0 : i64, scratch_operands = 22 : i64, tpu.core_type = #tpu.core_type<sc_vector_subcore>, window_params = [{transform_indices = #map}, {transform_indices = #map1}, {transform_indices = #map2}]} {
    %mul3A = arith.constant 2 : i32
    %mul3A_0 = arith.muli %arg1, %mul3A : i32
    %add3A = arith.addi %mul3A_0, %arg0 : i32
    %mul3A_1 = arith.constant 128 : i32
    %mul3A_2 = arith.muli %add3A, %mul3A_1 : i32
    %mul3A_3 = arith.constant 6400 : i32
    %mul3A_4 = arith.muli %add3A, %mul3A_3 : i32
    "tpu.region"() ({
      %run_scoped3A = tpu.sem_alloc : memref<!tpu.dma_semaphore, #tpu.memory_space<semaphore_mem>>
      %dma_start3A_296 = tpu.memref_slice %arg3[%mul3A_4] : memref<204800xi32, #tpu.memory_space<hbm>> -> memref<6400xi32, #tpu.memory_space<hbm>>
      %dma_start3A_297 = tpu.memref_slice %arg3[%mul3A_4] : memref<204800xi32, #tpu.memory_space<hbm>> -> memref<6400xi32, #tpu.memory_space<hbm>>
      tpu.enqueue_dma source(%dma_start3A_297 : memref<6400xi32, #tpu.memory_space<hbm>>) target(%arg5 : memref<6400xi32, #tpu.memory_space<vmem>>) target_semaphore(%run_scoped3A : memref<!tpu.dma_semaphore, #tpu.memory_space<semaphore_mem>>)
      %dma_wait3A_298 = tpu.memref_slice %arg3[%mul3A_4] : memref<204800xi32, #tpu.memory_space<hbm>> -> memref<6400xi32, #tpu.memory_space<hbm>>
      %dma_wait3A_299 = tpu.memref_slice %arg3[%mul3A_4] : memref<204800xi32, #tpu.memory_space<hbm>> -> memref<6400xi32, #tpu.memory_space<hbm>>
      tpu.wait_dma2 semaphore(%run_scoped3A : memref<!tpu.dma_semaphore, #tpu.memory_space<semaphore_mem>>) src(%dma_wait3A_299 : memref<6400xi32, #tpu.memory_space<hbm>>) dst(%arg5 : memref<6400xi32, #tpu.memory_space<vmem>>)
      tpu.yield
    }) : () -> ()
    %dma_start3A = arith.constant 0 : i32
    %dma_start3A_5 = tpu.memref_slice %arg5[%dma_start3A] : memref<6400xi32, #tpu.memory_space<vmem>> -> memref<128xi32, #tpu.memory_space<vmem>>
    %dma_start3A_6 = arith.constant 0 : i32
    %dma_start3A_7 = arith.constant 0 : i32
    %dma_start3A_8 = tpu.memref_slice %arg2[%dma_start3A_6, %dma_start3A_7] : memref<100000x128xf32, #tpu.memory_space<hbm>> -> memref<100000x128xf32, #tpu.memory_space<hbm>>
    tpu.enqueue_indirect_dma source(%dma_start3A_8 : memref<100000x128xf32, #tpu.memory_space<hbm>>) target(%arg6 : memref<128x128xf32, #tpu.memory_space<vmem>>) offsets(%dma_start3A_5 : memref<128xi32, #tpu.memory_space<vmem>>) semaphore(%arg13 : memref<!tpu.dma_semaphore, #tpu.memory_space<semaphore_mem>>)
    %dma_start3A_9 = arith.constant 128 : i32
    %dma_start3A_10 = tpu.memref_slice %arg5[%dma_start3A_9] : memref<6400xi32, #tpu.memory_space<vmem>> -> memref<128xi32, #tpu.memory_space<vmem>>
    %dma_start3A_11 = arith.constant 0 : i32
    %dma_start3A_12 = arith.constant 0 : i32
    %dma_start3A_13 = tpu.memref_slice %arg2[%dma_start3A_11, %dma_start3A_12] : memref<100000x128xf32, #tpu.memory_space<hbm>> -> memref<100000x128xf32, #tpu.memory_space<hbm>>
    tpu.enqueue_indirect_dma source(%dma_start3A_13 : memref<100000x128xf32, #tpu.memory_space<hbm>>) target(%arg7 : memref<128x128xf32, #tpu.memory_space<vmem>>) offsets(%dma_start3A_10 : memref<128xi32, #tpu.memory_space<vmem>>) semaphore(%arg14 : memref<!tpu.dma_semaphore, #tpu.memory_space<semaphore_mem>>)
    %dma_start3A_14 = arith.constant 256 : i32
    %dma_start3A_15 = tpu.memref_slice %arg5[%dma_start3A_14] : memref<6400xi32, #tpu.memory_space<vmem>> -> memref<128xi32, #tpu.memory_space<vmem>>
    %dma_start3A_16 = arith.constant 0 : i32
    %dma_start3A_17 = arith.constant 0 : i32
    %dma_start3A_18 = tpu.memref_slice %arg2[%dma_start3A_16, %dma_start3A_17] : memref<100000x128xf32, #tpu.memory_space<hbm>> -> memref<100000x128xf32, #tpu.memory_space<hbm>>
    tpu.enqueue_indirect_dma source(%dma_start3A_18 : memref<100000x128xf32, #tpu.memory_space<hbm>>) target(%arg8 : memref<128x128xf32, #tpu.memory_space<vmem>>) offsets(%dma_start3A_15 : memref<128xi32, #tpu.memory_space<vmem>>) semaphore(%arg15 : memref<!tpu.dma_semaphore, #tpu.memory_space<semaphore_mem>>)
    %dma_start3A_19 = arith.constant 384 : i32
    %dma_start3A_20 = tpu.memref_slice %arg5[%dma_start3A_19] : memref<6400xi32, #tpu.memory_space<vmem>> -> memref<128xi32, #tpu.memory_space<vmem>>
    %dma_start3A_21 = arith.constant 0 : i32
    %dma_start3A_22 = arith.constant 0 : i32
    %dma_start3A_23 = tpu.memref_slice %arg2[%dma_start3A_21, %dma_start3A_22] : memref<100000x128xf32, #tpu.memory_space<hbm>> -> memref<100000x128xf32, #tpu.memory_space<hbm>>
    tpu.enqueue_indirect_dma source(%dma_start3A_23 : memref<100000x128xf32, #tpu.memory_space<hbm>>) target(%arg9 : memref<128x128xf32, #tpu.memory_space<vmem>>) offsets(%dma_start3A_20 : memref<128xi32, #tpu.memory_space<vmem>>) semaphore(%arg16 : memref<!tpu.dma_semaphore, #tpu.memory_space<semaphore_mem>>)
    %dma_start3A_24 = arith.constant 512 : i32
    %dma_start3A_25 = tpu.memref_slice %arg5[%dma_start3A_24] : memref<6400xi32, #tpu.memory_space<vmem>> -> memref<128xi32, #tpu.memory_space<vmem>>
    %dma_start3A_26 = arith.constant 0 : i32
    %dma_start3A_27 = arith.constant 0 : i32
    %dma_start3A_28 = tpu.memref_slice %arg2[%dma_start3A_26, %dma_start3A_27] : memref<100000x128xf32, #tpu.memory_space<hbm>> -> memref<100000x128xf32, #tpu.memory_space<hbm>>
    tpu.enqueue_indirect_dma source(%dma_start3A_28 : memref<100000x128xf32, #tpu.memory_space<hbm>>) target(%arg10 : memref<128x128xf32, #tpu.memory_space<vmem>>) offsets(%dma_start3A_25 : memref<128xi32, #tpu.memory_space<vmem>>) semaphore(%arg17 : memref<!tpu.dma_semaphore, #tpu.memory_space<semaphore_mem>>)
    %dma_start3A_29 = arith.constant 640 : i32
    %dma_start3A_30 = tpu.memref_slice %arg5[%dma_start3A_29] : memref<6400xi32, #tpu.memory_space<vmem>> -> memref<128xi32, #tpu.memory_space<vmem>>
    %dma_start3A_31 = arith.constant 0 : i32
    %dma_start3A_32 = arith.constant 0 : i32
    %dma_start3A_33 = tpu.memref_slice %arg2[%dma_start3A_31, %dma_start3A_32] : memref<100000x128xf32, #tpu.memory_space<hbm>> -> memref<100000x128xf32, #tpu.memory_space<hbm>>
    tpu.enqueue_indirect_dma source(%dma_start3A_33 : memref<100000x128xf32, #tpu.memory_space<hbm>>) target(%arg11 : memref<128x128xf32, #tpu.memory_space<vmem>>) offsets(%dma_start3A_30 : memref<128xi32, #tpu.memory_space<vmem>>) semaphore(%arg18 : memref<!tpu.dma_semaphore, #tpu.memory_space<semaphore_mem>>)
    %dma_start3A_34 = arith.constant 768 : i32
    %dma_start3A_35 = tpu.memref_slice %arg5[%dma_start3A_34] : memref<6400xi32, #tpu.memory_space<vmem>> -> memref<128xi32, #tpu.memory_space<vmem>>
    %dma_start3A_36 = arith.constant 0 : i32
    %dma_start3A_37 = arith.constant 0 : i32
    %dma_start3A_38 = tpu.memref_slice %arg2[%dma_start3A_36, %dma_start3A_37] : memref<100000x128xf32, #tpu.memory_space<hbm>> -> memref<100000x128xf32, #tpu.memory_space<hbm>>
    tpu.enqueue_indirect_dma source(%dma_start3A_38 : memref<100000x128xf32, #tpu.memory_space<hbm>>) target(%arg12 : memref<128x128xf32, #tpu.memory_space<vmem>>) offsets(%dma_start3A_35 : memref<128xi32, #tpu.memory_space<vmem>>) semaphore(%arg19 : memref<!tpu.dma_semaphore, #tpu.memory_space<semaphore_mem>>)
    %dma_wait3A = arith.constant 0 : i32
    %dma_wait3A_39 = tpu.memref_slice %arg5[%dma_wait3A] : memref<6400xi32, #tpu.memory_space<vmem>> -> memref<128xi32, #tpu.memory_space<vmem>>
    %dma_wait3A_40 = arith.constant 0 : i32
    %dma_wait3A_41 = arith.constant 0 : i32
    %dma_wait3A_42 = tpu.memref_slice %arg2[%dma_wait3A_40, %dma_wait3A_41] : memref<100000x128xf32, #tpu.memory_space<hbm>> -> memref<100000x128xf32, #tpu.memory_space<hbm>>
    tpu.wait_indirect_dma semaphore(%arg13 : memref<!tpu.dma_semaphore, #tpu.memory_space<semaphore_mem>>) src(%dma_wait3A_42 : memref<100000x128xf32, #tpu.memory_space<hbm>>) dst(%arg6 : memref<128x128xf32, #tpu.memory_space<vmem>>)
    %dma_start3A_43 = arith.constant 0 : i32
    %dma_start3A_44 = arith.constant 0 : i32
    %dma_start3A_45 = arith.constant 0 : i32
    %dma_start3A_46 = tpu.memref_slice %arg6[%dma_start3A_44, %dma_start3A_45] : memref<128x128xf32, #tpu.memory_space<vmem>> -> memref<128x128xf32, #tpu.memory_space<vmem>>
    %dma_start3A_47 = arith.constant 0 : i32
    %dma_start3A_48 = tpu.memref_slice %arg4[%dma_start3A_43, %mul3A_2, %dma_start3A_47] : memref<50x4096x128xf32, #tpu.memory_space<hbm>> -> memref<1x128x128xf32, #tpu.memory_space<hbm>>
    %dma_start3A_49 = tpu.memref_squeeze %dma_start3A_48 : memref<1x128x128xf32, #tpu.memory_space<hbm>> -> memref<128x128xf32, #tpu.memory_space<hbm>>
    %dma_start3A_50 = arith.constant 0 : i32
    %dma_start3A_51 = tpu.memref_slice %arg4[%dma_start3A_43, %mul3A_2, %dma_start3A_50] : memref<50x4096x128xf32, #tpu.memory_space<hbm>> -> memref<1x128x128xf32, #tpu.memory_space<hbm>>
    %dma_start3A_52 = tpu.memref_squeeze %dma_start3A_51 : memref<1x128x128xf32, #tpu.memory_space<hbm>> -> memref<128x128xf32, #tpu.memory_space<hbm>>
    %dma_start3A_53 = arith.constant 0 : i32
    %dma_start3A_54 = arith.constant 0 : i32
    %dma_start3A_55 = tpu.memref_slice %arg6[%dma_start3A_53, %dma_start3A_54] : memref<128x128xf32, #tpu.memory_space<vmem>> -> memref<128x128xf32, #tpu.memory_space<vmem>>
    tpu.enqueue_dma source(%dma_start3A_55 : memref<128x128xf32, #tpu.memory_space<vmem>>) target(%dma_start3A_52 : memref<128x128xf32, #tpu.memory_space<hbm>>) target_semaphore(%arg20 : memref<!tpu.dma_semaphore, #tpu.memory_space<semaphore_mem>>)
    %scan3A = arith.constant 0 : i32
    %scan3A_56 = arith.constant 0 : i32
    %scan3A_57 = arith.constant 6 : i32
    %scan3A_58 = arith.addi %scan3A_56, %scan3A_57 : i32
    %scan3A_59 = arith.constant 1 : i32
    scf.for %scan3A_296 = %scan3A_56 to %scan3A_58 step %scan3A_59  : i32 {
      %mul3A_297 = arith.constant 7 : i32
      %mul3A_298 = arith.muli %mul3A_297, %scan3A_296 : i32
      %add3A_299 = arith.constant 1 : i32
      %add3A_300 = arith.addi %mul3A_298, %add3A_299 : i32
      %add3A_301 = arith.constant 0 : i32
      %add3A_302 = arith.addi %add3A_300, %add3A_301 : i32
      %dma_wait3A_303 = arith.constant 0 : i32
      %dma_wait3A_304 = tpu.memref_slice %arg5[%dma_wait3A_303] : memref<6400xi32, #tpu.memory_space<vmem>> -> memref<128xi32, #tpu.memory_space<vmem>>
      %dma_wait3A_305 = arith.constant 0 : i32
      %dma_wait3A_306 = arith.constant 0 : i32
      %dma_wait3A_307 = tpu.memref_slice %arg2[%dma_wait3A_305, %dma_wait3A_306] : memref<100000x128xf32, #tpu.memory_space<hbm>> -> memref<100000x128xf32, #tpu.memory_space<hbm>>
      tpu.wait_indirect_dma semaphore(%arg14 : memref<!tpu.dma_semaphore, #tpu.memory_space<semaphore_mem>>) src(%dma_wait3A_307 : memref<100000x128xf32, #tpu.memory_space<hbm>>) dst(%arg7 : memref<128x128xf32, #tpu.memory_space<vmem>>)
      %mul3A_308 = arith.constant 1 : i32
      %mul3A_309 = arith.muli %add3A_302, %mul3A_308 : i32
      %add3A_310 = arith.constant 0 : i32
      %add3A_311 = arith.addi %mul3A_309, %add3A_310 : i32
      %dma_start3A_312 = arith.constant 0 : i32
      %dma_start3A_313 = arith.constant 0 : i32
      %dma_start3A_314 = tpu.memref_slice %arg7[%dma_start3A_312, %dma_start3A_313] : memref<128x128xf32, #tpu.memory_space<vmem>> -> memref<128x128xf32, #tpu.memory_space<vmem>>
      %dma_start3A_315 = arith.constant 0 : i32
      %dma_start3A_316 = tpu.memref_slice %arg4[%add3A_311, %mul3A_2, %dma_start3A_315] : memref<50x4096x128xf32, #tpu.memory_space<hbm>> -> memref<1x128x128xf32, #tpu.memory_space<hbm>>
      %dma_start3A_317 = tpu.memref_squeeze %dma_start3A_316 : memref<1x128x128xf32, #tpu.memory_space<hbm>> -> memref<128x128xf32, #tpu.memory_space<hbm>>
      %dma_start3A_318 = arith.constant 0 : i32
      %dma_start3A_319 = tpu.memref_slice %arg4[%add3A_311, %mul3A_2, %dma_start3A_318] : memref<50x4096x128xf32, #tpu.memory_space<hbm>> -> memref<1x128x128xf32, #tpu.memory_space<hbm>>
      %dma_start3A_320 = tpu.memref_squeeze %dma_start3A_319 : memref<1x128x128xf32, #tpu.memory_space<hbm>> -> memref<128x128xf32, #tpu.memory_space<hbm>>
      %dma_start3A_321 = arith.constant 0 : i32
      %dma_start3A_322 = arith.constant 0 : i32
      %dma_start3A_323 = tpu.memref_slice %arg7[%dma_start3A_321, %dma_start3A_322] : memref<128x128xf32, #tpu.memory_space<vmem>> -> memref<128x128xf32, #tpu.memory_space<vmem>>
      tpu.enqueue_dma source(%dma_start3A_323 : memref<128x128xf32, #tpu.memory_space<vmem>>) target(%dma_start3A_320 : memref<128x128xf32, #tpu.memory_space<hbm>>) target_semaphore(%arg21 : memref<!tpu.dma_semaphore, #tpu.memory_space<semaphore_mem>>)
      %dma_wait3A_324 = arith.constant 0 : i32
      %dma_wait3A_325 = arith.constant 0 : i32
      %dma_wait3A_326 = arith.constant 0 : i32
      %dma_wait3A_327 = tpu.memref_slice %arg6[%dma_wait3A_325, %dma_wait3A_326] : memref<128x128xf32, #tpu.memory_space<vmem>> -> memref<128x128xf32, #tpu.memory_space<vmem>>
      %dma_wait3A_328 = arith.constant 0 : i32
      %dma_wait3A_329 = tpu.memref_slice %arg4[%dma_wait3A_324, %mul3A_2, %dma_wait3A_328] : memref<50x4096x128xf32, #tpu.memory_space<hbm>> -> memref<1x128x128xf32, #tpu.memory_space<hbm>>
      %dma_wait3A_330 = tpu.memref_squeeze %dma_wait3A_329 : memref<1x128x128xf32, #tpu.memory_space<hbm>> -> memref<128x128xf32, #tpu.memory_space<hbm>>
      %dma_wait3A_331 = arith.constant 0 : i32
      %dma_wait3A_332 = tpu.memref_slice %arg4[%dma_wait3A_324, %mul3A_2, %dma_wait3A_331] : memref<50x4096x128xf32, #tpu.memory_space<hbm>> -> memref<1x128x128xf32, #tpu.memory_space<hbm>>
      %dma_wait3A_333 = tpu.memref_squeeze %dma_wait3A_332 : memref<1x128x128xf32, #tpu.memory_space<hbm>> -> memref<128x128xf32, #tpu.memory_space<hbm>>
      %dma_wait3A_334 = arith.constant 0 : i32
      %dma_wait3A_335 = arith.constant 0 : i32
      %dma_wait3A_336 = tpu.memref_slice %arg6[%dma_wait3A_334, %dma_wait3A_335] : memref<128x128xf32, #tpu.memory_space<vmem>> -> memref<128x128xf32, #tpu.memory_space<vmem>>
      tpu.wait_dma2 semaphore(%arg20 : memref<!tpu.dma_semaphore, #tpu.memory_space<semaphore_mem>>) src(%dma_wait3A_336 : memref<128x128xf32, #tpu.memory_space<vmem>>) dst(%dma_wait3A_333 : memref<128x128xf32, #tpu.memory_space<hbm>>)
      %add3A_337 = arith.constant 7 : i32
      %add3A_338 = arith.addi %add3A_302, %add3A_337 : i32
      %sub3A = arith.constant 1 : i32
      %sub3A_339 = arith.subi %add3A_338, %sub3A : i32
      %mul3A_340 = arith.constant 1 : i32
      %mul3A_341 = arith.muli %sub3A_339, %mul3A_340 : i32
      %mul3A_342 = arith.constant 128 : i32
      %mul3A_343 = arith.muli %mul3A_341, %mul3A_342 : i32
      %dma_start3A_344 = tpu.memref_slice %arg5[%mul3A_343] : memref<6400xi32, #tpu.memory_space<vmem>> -> memref<128xi32, #tpu.memory_space<vmem>>
      %dma_start3A_345 = arith.constant 0 : i32
      %dma_start3A_346 = arith.constant 0 : i32
      %dma_start3A_347 = tpu.memref_slice %arg2[%dma_start3A_345, %dma_start3A_346] : memref<100000x128xf32, #tpu.memory_space<hbm>> -> memref<100000x128xf32, #tpu.memory_space<hbm>>
      tpu.enqueue_indirect_dma source(%dma_start3A_347 : memref<100000x128xf32, #tpu.memory_space<hbm>>) target(%arg6 : memref<128x128xf32, #tpu.memory_space<vmem>>) offsets(%dma_start3A_344 : memref<128xi32, #tpu.memory_space<vmem>>) semaphore(%arg13 : memref<!tpu.dma_semaphore, #tpu.memory_space<semaphore_mem>>)
      %add3A_348 = arith.constant 1 : i32
      %add3A_349 = arith.addi %add3A_300, %add3A_348 : i32
      %dma_wait3A_350 = arith.constant 0 : i32
      %dma_wait3A_351 = tpu.memref_slice %arg5[%dma_wait3A_350] : memref<6400xi32, #tpu.memory_space<vmem>> -> memref<128xi32, #tpu.memory_space<vmem>>
      %dma_wait3A_352 = arith.constant 0 : i32
      %dma_wait3A_353 = arith.constant 0 : i32
      %dma_wait3A_354 = tpu.memref_slice %arg2[%dma_wait3A_352, %dma_wait3A_353] : memref<100000x128xf32, #tpu.memory_space<hbm>> -> memref<100000x128xf32, #tpu.memory_space<hbm>>
      tpu.wait_indirect_dma semaphore(%arg15 : memref<!tpu.dma_semaphore, #tpu.memory_space<semaphore_mem>>) src(%dma_wait3A_354 : memref<100000x128xf32, #tpu.memory_space<hbm>>) dst(%arg8 : memref<128x128xf32, #tpu.memory_space<vmem>>)
      %mul3A_355 = arith.constant 1 : i32
      %mul3A_356 = arith.muli %add3A_349, %mul3A_355 : i32
      %add3A_357 = arith.constant 0 : i32
      %add3A_358 = arith.addi %mul3A_356, %add3A_357 : i32
      %dma_start3A_359 = arith.constant 0 : i32
      %dma_start3A_360 = arith.constant 0 : i32
      %dma_start3A_361 = tpu.memref_slice %arg8[%dma_start3A_359, %dma_start3A_360] : memref<128x128xf32, #tpu.memory_space<vmem>> -> memref<128x128xf32, #tpu.memory_space<vmem>>
      %dma_start3A_362 = arith.constant 0 : i32
      %dma_start3A_363 = tpu.memref_slice %arg4[%add3A_358, %mul3A_2, %dma_start3A_362] : memref<50x4096x128xf32, #tpu.memory_space<hbm>> -> memref<1x128x128xf32, #tpu.memory_space<hbm>>
      %dma_start3A_364 = tpu.memref_squeeze %dma_start3A_363 : memref<1x128x128xf32, #tpu.memory_space<hbm>> -> memref<128x128xf32, #tpu.memory_space<hbm>>
      %dma_start3A_365 = arith.constant 0 : i32
      %dma_start3A_366 = tpu.memref_slice %arg4[%add3A_358, %mul3A_2, %dma_start3A_365] : memref<50x4096x128xf32, #tpu.memory_space<hbm>> -> memref<1x128x128xf32, #tpu.memory_space<hbm>>
      %dma_start3A_367 = tpu.memref_squeeze %dma_start3A_366 : memref<1x128x128xf32, #tpu.memory_space<hbm>> -> memref<128x128xf32, #tpu.memory_space<hbm>>
      %dma_start3A_368 = arith.constant 0 : i32
      %dma_start3A_369 = arith.constant 0 : i32
      %dma_start3A_370 = tpu.memref_slice %arg8[%dma_start3A_368, %dma_start3A_369] : memref<128x128xf32, #tpu.memory_space<vmem>> -> memref<128x128xf32, #tpu.memory_space<vmem>>
      tpu.enqueue_dma source(%dma_start3A_370 : memref<128x128xf32, #tpu.memory_space<vmem>>) target(%dma_start3A_367 : memref<128x128xf32, #tpu.memory_space<hbm>>) target_semaphore(%arg22 : memref<!tpu.dma_semaphore, #tpu.memory_space<semaphore_mem>>)
      %dma_wait3A_371 = arith.constant 0 : i32
      %dma_wait3A_372 = arith.constant 0 : i32
      %dma_wait3A_373 = arith.constant 0 : i32
      %dma_wait3A_374 = tpu.memref_slice %arg7[%dma_wait3A_372, %dma_wait3A_373] : memref<128x128xf32, #tpu.memory_space<vmem>> -> memref<128x128xf32, #tpu.memory_space<vmem>>
      %dma_wait3A_375 = arith.constant 0 : i32
      %dma_wait3A_376 = tpu.memref_slice %arg4[%dma_wait3A_371, %mul3A_2, %dma_wait3A_375] : memref<50x4096x128xf32, #tpu.memory_space<hbm>> -> memref<1x128x128xf32, #tpu.memory_space<hbm>>
      %dma_wait3A_377 = tpu.memref_squeeze %dma_wait3A_376 : memref<1x128x128xf32, #tpu.memory_space<hbm>> -> memref<128x128xf32, #tpu.memory_space<hbm>>
      %dma_wait3A_378 = arith.constant 0 : i32
      %dma_wait3A_379 = tpu.memref_slice %arg4[%dma_wait3A_371, %mul3A_2, %dma_wait3A_378] : memref<50x4096x128xf32, #tpu.memory_space<hbm>> -> memref<1x128x128xf32, #tpu.memory_space<hbm>>
      %dma_wait3A_380 = tpu.memref_squeeze %dma_wait3A_379 : memref<1x128x128xf32, #tpu.memory_space<hbm>> -> memref<128x128xf32, #tpu.memory_space<hbm>>
      %dma_wait3A_381 = arith.constant 0 : i32
      %dma_wait3A_382 = arith.constant 0 : i32
      %dma_wait3A_383 = tpu.memref_slice %arg7[%dma_wait3A_381, %dma_wait3A_382] : memref<128x128xf32, #tpu.memory_space<vmem>> -> memref<128x128xf32, #tpu.memory_space<vmem>>
      tpu.wait_dma2 semaphore(%arg21 : memref<!tpu.dma_semaphore, #tpu.memory_space<semaphore_mem>>) src(%dma_wait3A_383 : memref<128x128xf32, #tpu.memory_space<vmem>>) dst(%dma_wait3A_380 : memref<128x128xf32, #tpu.memory_space<hbm>>)
      %add3A_384 = arith.constant 7 : i32
      %add3A_385 = arith.addi %add3A_349, %add3A_384 : i32
      %sub3A_386 = arith.constant 1 : i32
      %sub3A_387 = arith.subi %add3A_385, %sub3A_386 : i32
      %mul3A_388 = arith.constant 1 : i32
      %mul3A_389 = arith.muli %sub3A_387, %mul3A_388 : i32
      %mul3A_390 = arith.constant 128 : i32
      %mul3A_391 = arith.muli %mul3A_389, %mul3A_390 : i32
      %dma_start3A_392 = tpu.memref_slice %arg5[%mul3A_391] : memref<6400xi32, #tpu.memory_space<vmem>> -> memref<128xi32, #tpu.memory_space<vmem>>
      %dma_start3A_393 = arith.constant 0 : i32
      %dma_start3A_394 = arith.constant 0 : i32
      %dma_start3A_395 = tpu.memref_slice %arg2[%dma_start3A_393, %dma_start3A_394] : memref<100000x128xf32, #tpu.memory_space<hbm>> -> memref<100000x128xf32, #tpu.memory_space<hbm>>
      tpu.enqueue_indirect_dma source(%dma_start3A_395 : memref<100000x128xf32, #tpu.memory_space<hbm>>) target(%arg7 : memref<128x128xf32, #tpu.memory_space<vmem>>) offsets(%dma_start3A_392 : memref<128xi32, #tpu.memory_space<vmem>>) semaphore(%arg14 : memref<!tpu.dma_semaphore, #tpu.memory_space<semaphore_mem>>)
      %add3A_396 = arith.constant 2 : i32
      %add3A_397 = arith.addi %add3A_300, %add3A_396 : i32
      %dma_wait3A_398 = arith.constant 0 : i32
      %dma_wait3A_399 = tpu.memref_slice %arg5[%dma_wait3A_398] : memref<6400xi32, #tpu.memory_space<vmem>> -> memref<128xi32, #tpu.memory_space<vmem>>
      %dma_wait3A_400 = arith.constant 0 : i32
      %dma_wait3A_401 = arith.constant 0 : i32
      %dma_wait3A_402 = tpu.memref_slice %arg2[%dma_wait3A_400, %dma_wait3A_401] : memref<100000x128xf32, #tpu.memory_space<hbm>> -> memref<100000x128xf32, #tpu.memory_space<hbm>>
      tpu.wait_indirect_dma semaphore(%arg16 : memref<!tpu.dma_semaphore, #tpu.memory_space<semaphore_mem>>) src(%dma_wait3A_402 : memref<100000x128xf32, #tpu.memory_space<hbm>>) dst(%arg9 : memref<128x128xf32, #tpu.memory_space<vmem>>)
      %mul3A_403 = arith.constant 1 : i32
      %mul3A_404 = arith.muli %add3A_397, %mul3A_403 : i32
      %add3A_405 = arith.constant 0 : i32
      %add3A_406 = arith.addi %mul3A_404, %add3A_405 : i32
      %dma_start3A_407 = arith.constant 0 : i32
      %dma_start3A_408 = arith.constant 0 : i32
      %dma_start3A_409 = tpu.memref_slice %arg9[%dma_start3A_407, %dma_start3A_408] : memref<128x128xf32, #tpu.memory_space<vmem>> -> memref<128x128xf32, #tpu.memory_space<vmem>>
      %dma_start3A_410 = arith.constant 0 : i32
      %dma_start3A_411 = tpu.memref_slice %arg4[%add3A_406, %mul3A_2, %dma_start3A_410] : memref<50x4096x128xf32, #tpu.memory_space<hbm>> -> memref<1x128x128xf32, #tpu.memory_space<hbm>>
      %dma_start3A_412 = tpu.memref_squeeze %dma_start3A_411 : memref<1x128x128xf32, #tpu.memory_space<hbm>> -> memref<128x128xf32, #tpu.memory_space<hbm>>
      %dma_start3A_413 = arith.constant 0 : i32
      %dma_start3A_414 = tpu.memref_slice %arg4[%add3A_406, %mul3A_2, %dma_start3A_413] : memref<50x4096x128xf32, #tpu.memory_space<hbm>> -> memref<1x128x128xf32, #tpu.memory_space<hbm>>
      %dma_start3A_415 = tpu.memref_squeeze %dma_start3A_414 : memref<1x128x128xf32, #tpu.memory_space<hbm>> -> memref<128x128xf32, #tpu.memory_space<hbm>>
      %dma_start3A_416 = arith.constant 0 : i32
      %dma_start3A_417 = arith.constant 0 : i32
      %dma_start3A_418 = tpu.memref_slice %arg9[%dma_start3A_416, %dma_start3A_417] : memref<128x128xf32, #tpu.memory_space<vmem>> -> memref<128x128xf32, #tpu.memory_space<vmem>>
      tpu.enqueue_dma source(%dma_start3A_418 : memref<128x128xf32, #tpu.memory_space<vmem>>) target(%dma_start3A_415 : memref<128x128xf32, #tpu.memory_space<hbm>>) target_semaphore(%arg23 : memref<!tpu.dma_semaphore, #tpu.memory_space<semaphore_mem>>)
      %dma_wait3A_419 = arith.constant 0 : i32
      %dma_wait3A_420 = arith.constant 0 : i32
      %dma_wait3A_421 = arith.constant 0 : i32
      %dma_wait3A_422 = tpu.memref_slice %arg8[%dma_wait3A_420, %dma_wait3A_421] : memref<128x128xf32, #tpu.memory_space<vmem>> -> memref<128x128xf32, #tpu.memory_space<vmem>>
      %dma_wait3A_423 = arith.constant 0 : i32
      %dma_wait3A_424 = tpu.memref_slice %arg4[%dma_wait3A_419, %mul3A_2, %dma_wait3A_423] : memref<50x4096x128xf32, #tpu.memory_space<hbm>> -> memref<1x128x128xf32, #tpu.memory_space<hbm>>
      %dma_wait3A_425 = tpu.memref_squeeze %dma_wait3A_424 : memref<1x128x128xf32, #tpu.memory_space<hbm>> -> memref<128x128xf32, #tpu.memory_space<hbm>>
      %dma_wait3A_426 = arith.constant 0 : i32
      %dma_wait3A_427 = tpu.memref_slice %arg4[%dma_wait3A_419, %mul3A_2, %dma_wait3A_426] : memref<50x4096x128xf32, #tpu.memory_space<hbm>> -> memref<1x128x128xf32, #tpu.memory_space<hbm>>
      %dma_wait3A_428 = tpu.memref_squeeze %dma_wait3A_427 : memref<1x128x128xf32, #tpu.memory_space<hbm>> -> memref<128x128xf32, #tpu.memory_space<hbm>>
      %dma_wait3A_429 = arith.constant 0 : i32
      %dma_wait3A_430 = arith.constant 0 : i32
      %dma_wait3A_431 = tpu.memref_slice %arg8[%dma_wait3A_429, %dma_wait3A_430] : memref<128x128xf32, #tpu.memory_space<vmem>> -> memref<128x128xf32, #tpu.memory_space<vmem>>
      tpu.wait_dma2 semaphore(%arg22 : memref<!tpu.dma_semaphore, #tpu.memory_space<semaphore_mem>>) src(%dma_wait3A_431 : memref<128x128xf32, #tpu.memory_space<vmem>>) dst(%dma_wait3A_428 : memref<128x128xf32, #tpu.memory_space<hbm>>)
      %add3A_432 = arith.constant 7 : i32
      %add3A_433 = arith.addi %add3A_397, %add3A_432 : i32
      %sub3A_434 = arith.constant 1 : i32
      %sub3A_435 = arith.subi %add3A_433, %sub3A_434 : i32
      %mul3A_436 = arith.constant 1 : i32
      %mul3A_437 = arith.muli %sub3A_435, %mul3A_436 : i32
      %mul3A_438 = arith.constant 128 : i32
      %mul3A_439 = arith.muli %mul3A_437, %mul3A_438 : i32
      %dma_start3A_440 = tpu.memref_slice %arg5[%mul3A_439] : memref<6400xi32, #tpu.memory_space<vmem>> -> memref<128xi32, #tpu.memory_space<vmem>>
      %dma_start3A_441 = arith.constant 0 : i32
      %dma_start3A_442 = arith.constant 0 : i32
      %dma_start3A_443 = tpu.memref_slice %arg2[%dma_start3A_441, %dma_start3A_442] : memref<100000x128xf32, #tpu.memory_space<hbm>> -> memref<100000x128xf32, #tpu.memory_space<hbm>>
      tpu.enqueue_indirect_dma source(%dma_start3A_443 : memref<100000x128xf32, #tpu.memory_space<hbm>>) target(%arg8 : memref<128x128xf32, #tpu.memory_space<vmem>>) offsets(%dma_start3A_440 : memref<128xi32, #tpu.memory_space<vmem>>) semaphore(%arg15 : memref<!tpu.dma_semaphore, #tpu.memory_space<semaphore_mem>>)
      %add3A_444 = arith.constant 3 : i32
      %add3A_445 = arith.addi %add3A_300, %add3A_444 : i32
      %dma_wait3A_446 = arith.constant 0 : i32
      %dma_wait3A_447 = tpu.memref_slice %arg5[%dma_wait3A_446] : memref<6400xi32, #tpu.memory_space<vmem>> -> memref<128xi32, #tpu.memory_space<vmem>>
      %dma_wait3A_448 = arith.constant 0 : i32
      %dma_wait3A_449 = arith.constant 0 : i32
      %dma_wait3A_450 = tpu.memref_slice %arg2[%dma_wait3A_448, %dma_wait3A_449] : memref<100000x128xf32, #tpu.memory_space<hbm>> -> memref<100000x128xf32, #tpu.memory_space<hbm>>
      tpu.wait_indirect_dma semaphore(%arg17 : memref<!tpu.dma_semaphore, #tpu.memory_space<semaphore_mem>>) src(%dma_wait3A_450 : memref<100000x128xf32, #tpu.memory_space<hbm>>) dst(%arg10 : memref<128x128xf32, #tpu.memory_space<vmem>>)
      %mul3A_451 = arith.constant 1 : i32
      %mul3A_452 = arith.muli %add3A_445, %mul3A_451 : i32
      %add3A_453 = arith.constant 0 : i32
      %add3A_454 = arith.addi %mul3A_452, %add3A_453 : i32
      %dma_start3A_455 = arith.constant 0 : i32
      %dma_start3A_456 = arith.constant 0 : i32
      %dma_start3A_457 = tpu.memref_slice %arg10[%dma_start3A_455, %dma_start3A_456] : memref<128x128xf32, #tpu.memory_space<vmem>> -> memref<128x128xf32, #tpu.memory_space<vmem>>
      %dma_start3A_458 = arith.constant 0 : i32
      %dma_start3A_459 = tpu.memref_slice %arg4[%add3A_454, %mul3A_2, %dma_start3A_458] : memref<50x4096x128xf32, #tpu.memory_space<hbm>> -> memref<1x128x128xf32, #tpu.memory_space<hbm>>
      %dma_start3A_460 = tpu.memref_squeeze %dma_start3A_459 : memref<1x128x128xf32, #tpu.memory_space<hbm>> -> memref<128x128xf32, #tpu.memory_space<hbm>>
      %dma_start3A_461 = arith.constant 0 : i32
      %dma_start3A_462 = tpu.memref_slice %arg4[%add3A_454, %mul3A_2, %dma_start3A_461] : memref<50x4096x128xf32, #tpu.memory_space<hbm>> -> memref<1x128x128xf32, #tpu.memory_space<hbm>>
      %dma_start3A_463 = tpu.memref_squeeze %dma_start3A_462 : memref<1x128x128xf32, #tpu.memory_space<hbm>> -> memref<128x128xf32, #tpu.memory_space<hbm>>
      %dma_start3A_464 = arith.constant 0 : i32
      %dma_start3A_465 = arith.constant 0 : i32
      %dma_start3A_466 = tpu.memref_slice %arg10[%dma_start3A_464, %dma_start3A_465] : memref<128x128xf32, #tpu.memory_space<vmem>> -> memref<128x128xf32, #tpu.memory_space<vmem>>
      tpu.enqueue_dma source(%dma_start3A_466 : memref<128x128xf32, #tpu.memory_space<vmem>>) target(%dma_start3A_463 : memref<128x128xf32, #tpu.memory_space<hbm>>) target_semaphore(%arg24 : memref<!tpu.dma_semaphore, #tpu.memory_space<semaphore_mem>>)
      %dma_wait3A_467 = arith.constant 0 : i32
      %dma_wait3A_468 = arith.constant 0 : i32
      %dma_wait3A_469 = arith.constant 0 : i32
      %dma_wait3A_470 = tpu.memref_slice %arg9[%dma_wait3A_468, %dma_wait3A_469] : memref<128x128xf32, #tpu.memory_space<vmem>> -> memref<128x128xf32, #tpu.memory_space<vmem>>
      %dma_wait3A_471 = arith.constant 0 : i32
      %dma_wait3A_472 = tpu.memref_slice %arg4[%dma_wait3A_467, %mul3A_2, %dma_wait3A_471] : memref<50x4096x128xf32, #tpu.memory_space<hbm>> -> memref<1x128x128xf32, #tpu.memory_space<hbm>>
      %dma_wait3A_473 = tpu.memref_squeeze %dma_wait3A_472 : memref<1x128x128xf32, #tpu.memory_space<hbm>> -> memref<128x128xf32, #tpu.memory_space<hbm>>
      %dma_wait3A_474 = arith.constant 0 : i32
      %dma_wait3A_475 = tpu.memref_slice %arg4[%dma_wait3A_467, %mul3A_2, %dma_wait3A_474] : memref<50x4096x128xf32, #tpu.memory_space<hbm>> -> memref<1x128x128xf32, #tpu.memory_space<hbm>>
      %dma_wait3A_476 = tpu.memref_squeeze %dma_wait3A_475 : memref<1x128x128xf32, #tpu.memory_space<hbm>> -> memref<128x128xf32, #tpu.memory_space<hbm>>
      %dma_wait3A_477 = arith.constant 0 : i32
      %dma_wait3A_478 = arith.constant 0 : i32
      %dma_wait3A_479 = tpu.memref_slice %arg9[%dma_wait3A_477, %dma_wait3A_478] : memref<128x128xf32, #tpu.memory_space<vmem>> -> memref<128x128xf32, #tpu.memory_space<vmem>>
      tpu.wait_dma2 semaphore(%arg23 : memref<!tpu.dma_semaphore, #tpu.memory_space<semaphore_mem>>) src(%dma_wait3A_479 : memref<128x128xf32, #tpu.memory_space<vmem>>) dst(%dma_wait3A_476 : memref<128x128xf32, #tpu.memory_space<hbm>>)
      %add3A_480 = arith.constant 7 : i32
      %add3A_481 = arith.addi %add3A_445, %add3A_480 : i32
      %sub3A_482 = arith.constant 1 : i32
      %sub3A_483 = arith.subi %add3A_481, %sub3A_482 : i32
      %mul3A_484 = arith.constant 1 : i32
      %mul3A_485 = arith.muli %sub3A_483, %mul3A_484 : i32
      %mul3A_486 = arith.constant 128 : i32
      %mul3A_487 = arith.muli %mul3A_485, %mul3A_486 : i32
      %dma_start3A_488 = tpu.memref_slice %arg5[%mul3A_487] : memref<6400xi32, #tpu.memory_space<vmem>> -> memref<128xi32, #tpu.memory_space<vmem>>
      %dma_start3A_489 = arith.constant 0 : i32
      %dma_start3A_490 = arith.constant 0 : i32
      %dma_start3A_491 = tpu.memref_slice %arg2[%dma_start3A_489, %dma_start3A_490] : memref<100000x128xf32, #tpu.memory_space<hbm>> -> memref<100000x128xf32, #tpu.memory_space<hbm>>
      tpu.enqueue_indirect_dma source(%dma_start3A_491 : memref<100000x128xf32, #tpu.memory_space<hbm>>) target(%arg9 : memref<128x128xf32, #tpu.memory_space<vmem>>) offsets(%dma_start3A_488 : memref<128xi32, #tpu.memory_space<vmem>>) semaphore(%arg16 : memref<!tpu.dma_semaphore, #tpu.memory_space<semaphore_mem>>)
      %add3A_492 = arith.constant 4 : i32
      %add3A_493 = arith.addi %add3A_300, %add3A_492 : i32
      %dma_wait3A_494 = arith.constant 0 : i32
      %dma_wait3A_495 = tpu.memref_slice %arg5[%dma_wait3A_494] : memref<6400xi32, #tpu.memory_space<vmem>> -> memref<128xi32, #tpu.memory_space<vmem>>
      %dma_wait3A_496 = arith.constant 0 : i32
      %dma_wait3A_497 = arith.constant 0 : i32
      %dma_wait3A_498 = tpu.memref_slice %arg2[%dma_wait3A_496, %dma_wait3A_497] : memref<100000x128xf32, #tpu.memory_space<hbm>> -> memref<100000x128xf32, #tpu.memory_space<hbm>>
      tpu.wait_indirect_dma semaphore(%arg18 : memref<!tpu.dma_semaphore, #tpu.memory_space<semaphore_mem>>) src(%dma_wait3A_498 : memref<100000x128xf32, #tpu.memory_space<hbm>>) dst(%arg11 : memref<128x128xf32, #tpu.memory_space<vmem>>)
      %mul3A_499 = arith.constant 1 : i32
      %mul3A_500 = arith.muli %add3A_493, %mul3A_499 : i32
      %add3A_501 = arith.constant 0 : i32
      %add3A_502 = arith.addi %mul3A_500, %add3A_501 : i32
      %dma_start3A_503 = arith.constant 0 : i32
      %dma_start3A_504 = arith.constant 0 : i32
      %dma_start3A_505 = tpu.memref_slice %arg11[%dma_start3A_503, %dma_start3A_504] : memref<128x128xf32, #tpu.memory_space<vmem>> -> memref<128x128xf32, #tpu.memory_space<vmem>>
      %dma_start3A_506 = arith.constant 0 : i32
      %dma_start3A_507 = tpu.memref_slice %arg4[%add3A_502, %mul3A_2, %dma_start3A_506] : memref<50x4096x128xf32, #tpu.memory_space<hbm>> -> memref<1x128x128xf32, #tpu.memory_space<hbm>>
      %dma_start3A_508 = tpu.memref_squeeze %dma_start3A_507 : memref<1x128x128xf32, #tpu.memory_space<hbm>> -> memref<128x128xf32, #tpu.memory_space<hbm>>
      %dma_start3A_509 = arith.constant 0 : i32
      %dma_start3A_510 = tpu.memref_slice %arg4[%add3A_502, %mul3A_2, %dma_start3A_509] : memref<50x4096x128xf32, #tpu.memory_space<hbm>> -> memref<1x128x128xf32, #tpu.memory_space<hbm>>
      %dma_start3A_511 = tpu.memref_squeeze %dma_start3A_510 : memref<1x128x128xf32, #tpu.memory_space<hbm>> -> memref<128x128xf32, #tpu.memory_space<hbm>>
      %dma_start3A_512 = arith.constant 0 : i32
      %dma_start3A_513 = arith.constant 0 : i32
      %dma_start3A_514 = tpu.memref_slice %arg11[%dma_start3A_512, %dma_start3A_513] : memref<128x128xf32, #tpu.memory_space<vmem>> -> memref<128x128xf32, #tpu.memory_space<vmem>>
      tpu.enqueue_dma source(%dma_start3A_514 : memref<128x128xf32, #tpu.memory_space<vmem>>) target(%dma_start3A_511 : memref<128x128xf32, #tpu.memory_space<hbm>>) target_semaphore(%arg25 : memref<!tpu.dma_semaphore, #tpu.memory_space<semaphore_mem>>)
      %dma_wait3A_515 = arith.constant 0 : i32
      %dma_wait3A_516 = arith.constant 0 : i32
      %dma_wait3A_517 = arith.constant 0 : i32
      %dma_wait3A_518 = tpu.memref_slice %arg10[%dma_wait3A_516, %dma_wait3A_517] : memref<128x128xf32, #tpu.memory_space<vmem>> -> memref<128x128xf32, #tpu.memory_space<vmem>>
      %dma_wait3A_519 = arith.constant 0 : i32
      %dma_wait3A_520 = tpu.memref_slice %arg4[%dma_wait3A_515, %mul3A_2, %dma_wait3A_519] : memref<50x4096x128xf32, #tpu.memory_space<hbm>> -> memref<1x128x128xf32, #tpu.memory_space<hbm>>
      %dma_wait3A_521 = tpu.memref_squeeze %dma_wait3A_520 : memref<1x128x128xf32, #tpu.memory_space<hbm>> -> memref<128x128xf32, #tpu.memory_space<hbm>>
      %dma_wait3A_522 = arith.constant 0 : i32
      %dma_wait3A_523 = tpu.memref_slice %arg4[%dma_wait3A_515, %mul3A_2, %dma_wait3A_522] : memref<50x4096x128xf32, #tpu.memory_space<hbm>> -> memref<1x128x128xf32, #tpu.memory_space<hbm>>
      %dma_wait3A_524 = tpu.memref_squeeze %dma_wait3A_523 : memref<1x128x128xf32, #tpu.memory_space<hbm>> -> memref<128x128xf32, #tpu.memory_space<hbm>>
      %dma_wait3A_525 = arith.constant 0 : i32
      %dma_wait3A_526 = arith.constant 0 : i32
      %dma_wait3A_527 = tpu.memref_slice %arg10[%dma_wait3A_525, %dma_wait3A_526] : memref<128x128xf32, #tpu.memory_space<vmem>> -> memref<128x128xf32, #tpu.memory_space<vmem>>
      tpu.wait_dma2 semaphore(%arg24 : memref<!tpu.dma_semaphore, #tpu.memory_space<semaphore_mem>>) src(%dma_wait3A_527 : memref<128x128xf32, #tpu.memory_space<vmem>>) dst(%dma_wait3A_524 : memref<128x128xf32, #tpu.memory_space<hbm>>)
      %add3A_528 = arith.constant 7 : i32
      %add3A_529 = arith.addi %add3A_493, %add3A_528 : i32
      %sub3A_530 = arith.constant 1 : i32
      %sub3A_531 = arith.subi %add3A_529, %sub3A_530 : i32
      %mul3A_532 = arith.constant 1 : i32
      %mul3A_533 = arith.muli %sub3A_531, %mul3A_532 : i32
      %mul3A_534 = arith.constant 128 : i32
      %mul3A_535 = arith.muli %mul3A_533, %mul3A_534 : i32
      %dma_start3A_536 = tpu.memref_slice %arg5[%mul3A_535] : memref<6400xi32, #tpu.memory_space<vmem>> -> memref<128xi32, #tpu.memory_space<vmem>>
      %dma_start3A_537 = arith.constant 0 : i32
      %dma_start3A_538 = arith.constant 0 : i32
      %dma_start3A_539 = tpu.memref_slice %arg2[%dma_start3A_537, %dma_start3A_538] : memref<100000x128xf32, #tpu.memory_space<hbm>> -> memref<100000x128xf32, #tpu.memory_space<hbm>>
      tpu.enqueue_indirect_dma source(%dma_start3A_539 : memref<100000x128xf32, #tpu.memory_space<hbm>>) target(%arg10 : memref<128x128xf32, #tpu.memory_space<vmem>>) offsets(%dma_start3A_536 : memref<128xi32, #tpu.memory_space<vmem>>) semaphore(%arg17 : memref<!tpu.dma_semaphore, #tpu.memory_space<semaphore_mem>>)
      %add3A_540 = arith.constant 5 : i32
      %add3A_541 = arith.addi %add3A_300, %add3A_540 : i32
      %dma_wait3A_542 = arith.constant 0 : i32
      %dma_wait3A_543 = tpu.memref_slice %arg5[%dma_wait3A_542] : memref<6400xi32, #tpu.memory_space<vmem>> -> memref<128xi32, #tpu.memory_space<vmem>>
      %dma_wait3A_544 = arith.constant 0 : i32
      %dma_wait3A_545 = arith.constant 0 : i32
      %dma_wait3A_546 = tpu.memref_slice %arg2[%dma_wait3A_544, %dma_wait3A_545] : memref<100000x128xf32, #tpu.memory_space<hbm>> -> memref<100000x128xf32, #tpu.memory_space<hbm>>
      tpu.wait_indirect_dma semaphore(%arg19 : memref<!tpu.dma_semaphore, #tpu.memory_space<semaphore_mem>>) src(%dma_wait3A_546 : memref<100000x128xf32, #tpu.memory_space<hbm>>) dst(%arg12 : memref<128x128xf32, #tpu.memory_space<vmem>>)
      %mul3A_547 = arith.constant 1 : i32
      %mul3A_548 = arith.muli %add3A_541, %mul3A_547 : i32
      %add3A_549 = arith.constant 0 : i32
      %add3A_550 = arith.addi %mul3A_548, %add3A_549 : i32
      %dma_start3A_551 = arith.constant 0 : i32
      %dma_start3A_552 = arith.constant 0 : i32
      %dma_start3A_553 = tpu.memref_slice %arg12[%dma_start3A_551, %dma_start3A_552] : memref<128x128xf32, #tpu.memory_space<vmem>> -> memref<128x128xf32, #tpu.memory_space<vmem>>
      %dma_start3A_554 = arith.constant 0 : i32
      %dma_start3A_555 = tpu.memref_slice %arg4[%add3A_550, %mul3A_2, %dma_start3A_554] : memref<50x4096x128xf32, #tpu.memory_space<hbm>> -> memref<1x128x128xf32, #tpu.memory_space<hbm>>
      %dma_start3A_556 = tpu.memref_squeeze %dma_start3A_555 : memref<1x128x128xf32, #tpu.memory_space<hbm>> -> memref<128x128xf32, #tpu.memory_space<hbm>>
      %dma_start3A_557 = arith.constant 0 : i32
      %dma_start3A_558 = tpu.memref_slice %arg4[%add3A_550, %mul3A_2, %dma_start3A_557] : memref<50x4096x128xf32, #tpu.memory_space<hbm>> -> memref<1x128x128xf32, #tpu.memory_space<hbm>>
      %dma_start3A_559 = tpu.memref_squeeze %dma_start3A_558 : memref<1x128x128xf32, #tpu.memory_space<hbm>> -> memref<128x128xf32, #tpu.memory_space<hbm>>
      %dma_start3A_560 = arith.constant 0 : i32
      %dma_start3A_561 = arith.constant 0 : i32
      %dma_start3A_562 = tpu.memref_slice %arg12[%dma_start3A_560, %dma_start3A_561] : memref<128x128xf32, #tpu.memory_space<vmem>> -> memref<128x128xf32, #tpu.memory_space<vmem>>
      tpu.enqueue_dma source(%dma_start3A_562 : memref<128x128xf32, #tpu.memory_space<vmem>>) target(%dma_start3A_559 : memref<128x128xf32, #tpu.memory_space<hbm>>) target_semaphore(%arg26 : memref<!tpu.dma_semaphore, #tpu.memory_space<semaphore_mem>>)
      %dma_wait3A_563 = arith.constant 0 : i32
      %dma_wait3A_564 = arith.constant 0 : i32
      %dma_wait3A_565 = arith.constant 0 : i32
      %dma_wait3A_566 = tpu.memref_slice %arg11[%dma_wait3A_564, %dma_wait3A_565] : memref<128x128xf32, #tpu.memory_space<vmem>> -> memref<128x128xf32, #tpu.memory_space<vmem>>
      %dma_wait3A_567 = arith.constant 0 : i32
      %dma_wait3A_568 = tpu.memref_slice %arg4[%dma_wait3A_563, %mul3A_2, %dma_wait3A_567] : memref<50x4096x128xf32, #tpu.memory_space<hbm>> -> memref<1x128x128xf32, #tpu.memory_space<hbm>>
      %dma_wait3A_569 = tpu.memref_squeeze %dma_wait3A_568 : memref<1x128x128xf32, #tpu.memory_space<hbm>> -> memref<128x128xf32, #tpu.memory_space<hbm>>
      %dma_wait3A_570 = arith.constant 0 : i32
      %dma_wait3A_571 = tpu.memref_slice %arg4[%dma_wait3A_563, %mul3A_2, %dma_wait3A_570] : memref<50x4096x128xf32, #tpu.memory_space<hbm>> -> memref<1x128x128xf32, #tpu.memory_space<hbm>>
      %dma_wait3A_572 = tpu.memref_squeeze %dma_wait3A_571 : memref<1x128x128xf32, #tpu.memory_space<hbm>> -> memref<128x128xf32, #tpu.memory_space<hbm>>
      %dma_wait3A_573 = arith.constant 0 : i32
      %dma_wait3A_574 = arith.constant 0 : i32
      %dma_wait3A_575 = tpu.memref_slice %arg11[%dma_wait3A_573, %dma_wait3A_574] : memref<128x128xf32, #tpu.memory_space<vmem>> -> memref<128x128xf32, #tpu.memory_space<vmem>>
      tpu.wait_dma2 semaphore(%arg25 : memref<!tpu.dma_semaphore, #tpu.memory_space<semaphore_mem>>) src(%dma_wait3A_575 : memref<128x128xf32, #tpu.memory_space<vmem>>) dst(%dma_wait3A_572 : memref<128x128xf32, #tpu.memory_space<hbm>>)
      %add3A_576 = arith.constant 7 : i32
      %add3A_577 = arith.addi %add3A_541, %add3A_576 : i32
      %sub3A_578 = arith.constant 1 : i32
      %sub3A_579 = arith.subi %add3A_577, %sub3A_578 : i32
      %mul3A_580 = arith.constant 1 : i32
      %mul3A_581 = arith.muli %sub3A_579, %mul3A_580 : i32
      %mul3A_582 = arith.constant 128 : i32
      %mul3A_583 = arith.muli %mul3A_581, %mul3A_582 : i32
      %dma_start3A_584 = tpu.memref_slice %arg5[%mul3A_583] : memref<6400xi32, #tpu.memory_space<vmem>> -> memref<128xi32, #tpu.memory_space<vmem>>
      %dma_start3A_585 = arith.constant 0 : i32
      %dma_start3A_586 = arith.constant 0 : i32
      %dma_start3A_587 = tpu.memref_slice %arg2[%dma_start3A_585, %dma_start3A_586] : memref<100000x128xf32, #tpu.memory_space<hbm>> -> memref<100000x128xf32, #tpu.memory_space<hbm>>
      tpu.enqueue_indirect_dma source(%dma_start3A_587 : memref<100000x128xf32, #tpu.memory_space<hbm>>) target(%arg11 : memref<128x128xf32, #tpu.memory_space<vmem>>) offsets(%dma_start3A_584 : memref<128xi32, #tpu.memory_space<vmem>>) semaphore(%arg18 : memref<!tpu.dma_semaphore, #tpu.memory_space<semaphore_mem>>)
      %add3A_588 = arith.constant 6 : i32
      %add3A_589 = arith.addi %add3A_300, %add3A_588 : i32
      %dma_wait3A_590 = arith.constant 0 : i32
      %dma_wait3A_591 = tpu.memref_slice %arg5[%dma_wait3A_590] : memref<6400xi32, #tpu.memory_space<vmem>> -> memref<128xi32, #tpu.memory_space<vmem>>
      %dma_wait3A_592 = arith.constant 0 : i32
      %dma_wait3A_593 = arith.constant 0 : i32
      %dma_wait3A_594 = tpu.memref_slice %arg2[%dma_wait3A_592, %dma_wait3A_593] : memref<100000x128xf32, #tpu.memory_space<hbm>> -> memref<100000x128xf32, #tpu.memory_space<hbm>>
      tpu.wait_indirect_dma semaphore(%arg13 : memref<!tpu.dma_semaphore, #tpu.memory_space<semaphore_mem>>) src(%dma_wait3A_594 : memref<100000x128xf32, #tpu.memory_space<hbm>>) dst(%arg6 : memref<128x128xf32, #tpu.memory_space<vmem>>)
      %mul3A_595 = arith.constant 1 : i32
      %mul3A_596 = arith.muli %add3A_589, %mul3A_595 : i32
      %add3A_597 = arith.constant 0 : i32
      %add3A_598 = arith.addi %mul3A_596, %add3A_597 : i32
      %dma_start3A_599 = arith.constant 0 : i32
      %dma_start3A_600 = arith.constant 0 : i32
      %dma_start3A_601 = tpu.memref_slice %arg6[%dma_start3A_599, %dma_start3A_600] : memref<128x128xf32, #tpu.memory_space<vmem>> -> memref<128x128xf32, #tpu.memory_space<vmem>>
      %dma_start3A_602 = arith.constant 0 : i32
      %dma_start3A_603 = tpu.memref_slice %arg4[%add3A_598, %mul3A_2, %dma_start3A_602] : memref<50x4096x128xf32, #tpu.memory_space<hbm>> -> memref<1x128x128xf32, #tpu.memory_space<hbm>>
      %dma_start3A_604 = tpu.memref_squeeze %dma_start3A_603 : memref<1x128x128xf32, #tpu.memory_space<hbm>> -> memref<128x128xf32, #tpu.memory_space<hbm>>
      %dma_start3A_605 = arith.constant 0 : i32
      %dma_start3A_606 = tpu.memref_slice %arg4[%add3A_598, %mul3A_2, %dma_start3A_605] : memref<50x4096x128xf32, #tpu.memory_space<hbm>> -> memref<1x128x128xf32, #tpu.memory_space<hbm>>
      %dma_start3A_607 = tpu.memref_squeeze %dma_start3A_606 : memref<1x128x128xf32, #tpu.memory_space<hbm>> -> memref<128x128xf32, #tpu.memory_space<hbm>>
      %dma_start3A_608 = arith.constant 0 : i32
      %dma_start3A_609 = arith.constant 0 : i32
      %dma_start3A_610 = tpu.memref_slice %arg6[%dma_start3A_608, %dma_start3A_609] : memref<128x128xf32, #tpu.memory_space<vmem>> -> memref<128x128xf32, #tpu.memory_space<vmem>>
      tpu.enqueue_dma source(%dma_start3A_610 : memref<128x128xf32, #tpu.memory_space<vmem>>) target(%dma_start3A_607 : memref<128x128xf32, #tpu.memory_space<hbm>>) target_semaphore(%arg20 : memref<!tpu.dma_semaphore, #tpu.memory_space<semaphore_mem>>)
      %dma_wait3A_611 = arith.constant 0 : i32
      %dma_wait3A_612 = arith.constant 0 : i32
      %dma_wait3A_613 = arith.constant 0 : i32
      %dma_wait3A_614 = tpu.memref_slice %arg12[%dma_wait3A_612, %dma_wait3A_613] : memref<128x128xf32, #tpu.memory_space<vmem>> -> memref<128x128xf32, #tpu.memory_space<vmem>>
      %dma_wait3A_615 = arith.constant 0 : i32
      %dma_wait3A_616 = tpu.memref_slice %arg4[%dma_wait3A_611, %mul3A_2, %dma_wait3A_615] : memref<50x4096x128xf32, #tpu.memory_space<hbm>> -> memref<1x128x128xf32, #tpu.memory_space<hbm>>
      %dma_wait3A_617 = tpu.memref_squeeze %dma_wait3A_616 : memref<1x128x128xf32, #tpu.memory_space<hbm>> -> memref<128x128xf32, #tpu.memory_space<hbm>>
      %dma_wait3A_618 = arith.constant 0 : i32
      %dma_wait3A_619 = tpu.memref_slice %arg4[%dma_wait3A_611, %mul3A_2, %dma_wait3A_618] : memref<50x4096x128xf32, #tpu.memory_space<hbm>> -> memref<1x128x128xf32, #tpu.memory_space<hbm>>
      %dma_wait3A_620 = tpu.memref_squeeze %dma_wait3A_619 : memref<1x128x128xf32, #tpu.memory_space<hbm>> -> memref<128x128xf32, #tpu.memory_space<hbm>>
      %dma_wait3A_621 = arith.constant 0 : i32
      %dma_wait3A_622 = arith.constant 0 : i32
      %dma_wait3A_623 = tpu.memref_slice %arg12[%dma_wait3A_621, %dma_wait3A_622] : memref<128x128xf32, #tpu.memory_space<vmem>> -> memref<128x128xf32, #tpu.memory_space<vmem>>
      tpu.wait_dma2 semaphore(%arg26 : memref<!tpu.dma_semaphore, #tpu.memory_space<semaphore_mem>>) src(%dma_wait3A_623 : memref<128x128xf32, #tpu.memory_space<vmem>>) dst(%dma_wait3A_620 : memref<128x128xf32, #tpu.memory_space<hbm>>)
      %add3A_624 = arith.constant 7 : i32
      %add3A_625 = arith.addi %add3A_589, %add3A_624 : i32
      %sub3A_626 = arith.constant 1 : i32
      %sub3A_627 = arith.subi %add3A_625, %sub3A_626 : i32
      %mul3A_628 = arith.constant 1 : i32
      %mul3A_629 = arith.muli %sub3A_627, %mul3A_628 : i32
      %mul3A_630 = arith.constant 128 : i32
      %mul3A_631 = arith.muli %mul3A_629, %mul3A_630 : i32
      %dma_start3A_632 = tpu.memref_slice %arg5[%mul3A_631] : memref<6400xi32, #tpu.memory_space<vmem>> -> memref<128xi32, #tpu.memory_space<vmem>>
      %dma_start3A_633 = arith.constant 0 : i32
      %dma_start3A_634 = arith.constant 0 : i32
      %dma_start3A_635 = tpu.memref_slice %arg2[%dma_start3A_633, %dma_start3A_634] : memref<100000x128xf32, #tpu.memory_space<hbm>> -> memref<100000x128xf32, #tpu.memory_space<hbm>>
      tpu.enqueue_indirect_dma source(%dma_start3A_635 : memref<100000x128xf32, #tpu.memory_space<hbm>>) target(%arg12 : memref<128x128xf32, #tpu.memory_space<vmem>>) offsets(%dma_start3A_632 : memref<128xi32, #tpu.memory_space<vmem>>) semaphore(%arg19 : memref<!tpu.dma_semaphore, #tpu.memory_space<semaphore_mem>>)
    }
    %scan3A_60 = arith.constant 6 : i32
    %dma_wait3A_61 = arith.constant 0 : i32
    %dma_wait3A_62 = tpu.memref_slice %arg5[%dma_wait3A_61] : memref<6400xi32, #tpu.memory_space<vmem>> -> memref<128xi32, #tpu.memory_space<vmem>>
    %dma_wait3A_63 = arith.constant 0 : i32
    %dma_wait3A_64 = arith.constant 0 : i32
    %dma_wait3A_65 = tpu.memref_slice %arg2[%dma_wait3A_63, %dma_wait3A_64] : memref<100000x128xf32, #tpu.memory_space<hbm>> -> memref<100000x128xf32, #tpu.memory_space<hbm>>
    tpu.wait_indirect_dma semaphore(%arg14 : memref<!tpu.dma_semaphore, #tpu.memory_space<semaphore_mem>>) src(%dma_wait3A_65 : memref<100000x128xf32, #tpu.memory_space<hbm>>) dst(%arg7 : memref<128x128xf32, #tpu.memory_space<vmem>>)
    %dma_start3A_66 = arith.constant 43 : i32
    %dma_start3A_67 = arith.constant 0 : i32
    %dma_start3A_68 = arith.constant 0 : i32
    %dma_start3A_69 = tpu.memref_slice %arg7[%dma_start3A_67, %dma_start3A_68] : memref<128x128xf32, #tpu.memory_space<vmem>> -> memref<128x128xf32, #tpu.memory_space<vmem>>
    %dma_start3A_70 = arith.constant 0 : i32
    %dma_start3A_71 = tpu.memref_slice %arg4[%dma_start3A_66, %mul3A_2, %dma_start3A_70] : memref<50x4096x128xf32, #tpu.memory_space<hbm>> -> memref<1x128x128xf32, #tpu.memory_space<hbm>>
    %dma_start3A_72 = tpu.memref_squeeze %dma_start3A_71 : memref<1x128x128xf32, #tpu.memory_space<hbm>> -> memref<128x128xf32, #tpu.memory_space<hbm>>
    %dma_start3A_73 = arith.constant 0 : i32
    %dma_start3A_74 = tpu.memref_slice %arg4[%dma_start3A_66, %mul3A_2, %dma_start3A_73] : memref<50x4096x128xf32, #tpu.memory_space<hbm>> -> memref<1x128x128xf32, #tpu.memory_space<hbm>>
    %dma_start3A_75 = tpu.memref_squeeze %dma_start3A_74 : memref<1x128x128xf32, #tpu.memory_space<hbm>> -> memref<128x128xf32, #tpu.memory_space<hbm>>
    %dma_start3A_76 = arith.constant 0 : i32
    %dma_start3A_77 = arith.constant 0 : i32
    %dma_start3A_78 = tpu.memref_slice %arg7[%dma_start3A_76, %dma_start3A_77] : memref<128x128xf32, #tpu.memory_space<vmem>> -> memref<128x128xf32, #tpu.memory_space<vmem>>
    tpu.enqueue_dma source(%dma_start3A_78 : memref<128x128xf32, #tpu.memory_space<vmem>>) target(%dma_start3A_75 : memref<128x128xf32, #tpu.memory_space<hbm>>) target_semaphore(%arg21 : memref<!tpu.dma_semaphore, #tpu.memory_space<semaphore_mem>>)
    %dma_wait3A_79 = arith.constant 0 : i32
    %dma_wait3A_80 = arith.constant 0 : i32
    %dma_wait3A_81 = arith.constant 0 : i32
    %dma_wait3A_82 = tpu.memref_slice %arg6[%dma_wait3A_80, %dma_wait3A_81] : memref<128x128xf32, #tpu.memory_space<vmem>> -> memref<128x128xf32, #tpu.memory_space<vmem>>
    %dma_wait3A_83 = arith.constant 0 : i32
    %dma_wait3A_84 = tpu.memref_slice %arg4[%dma_wait3A_79, %mul3A_2, %dma_wait3A_83] : memref<50x4096x128xf32, #tpu.memory_space<hbm>> -> memref<1x128x128xf32, #tpu.memory_space<hbm>>
    %dma_wait3A_85 = tpu.memref_squeeze %dma_wait3A_84 : memref<1x128x128xf32, #tpu.memory_space<hbm>> -> memref<128x128xf32, #tpu.memory_space<hbm>>
    %dma_wait3A_86 = arith.constant 0 : i32
    %dma_wait3A_87 = tpu.memref_slice %arg4[%dma_wait3A_79, %mul3A_2, %dma_wait3A_86] : memref<50x4096x128xf32, #tpu.memory_space<hbm>> -> memref<1x128x128xf32, #tpu.memory_space<hbm>>
    %dma_wait3A_88 = tpu.memref_squeeze %dma_wait3A_87 : memref<1x128x128xf32, #tpu.memory_space<hbm>> -> memref<128x128xf32, #tpu.memory_space<hbm>>
    %dma_wait3A_89 = arith.constant 0 : i32
    %dma_wait3A_90 = arith.constant 0 : i32
    %dma_wait3A_91 = tpu.memref_slice %arg6[%dma_wait3A_89, %dma_wait3A_90] : memref<128x128xf32, #tpu.memory_space<vmem>> -> memref<128x128xf32, #tpu.memory_space<vmem>>
    tpu.wait_dma2 semaphore(%arg20 : memref<!tpu.dma_semaphore, #tpu.memory_space<semaphore_mem>>) src(%dma_wait3A_91 : memref<128x128xf32, #tpu.memory_space<vmem>>) dst(%dma_wait3A_88 : memref<128x128xf32, #tpu.memory_space<hbm>>)
    %dma_start3A_92 = arith.constant 6272 : i32
    %dma_start3A_93 = tpu.memref_slice %arg5[%dma_start3A_92] : memref<6400xi32, #tpu.memory_space<vmem>> -> memref<128xi32, #tpu.memory_space<vmem>>
    %dma_start3A_94 = arith.constant 0 : i32
    %dma_start3A_95 = arith.constant 0 : i32
    %dma_start3A_96 = tpu.memref_slice %arg2[%dma_start3A_94, %dma_start3A_95] : memref<100000x128xf32, #tpu.memory_space<hbm>> -> memref<100000x128xf32, #tpu.memory_space<hbm>>
    tpu.enqueue_indirect_dma source(%dma_start3A_96 : memref<100000x128xf32, #tpu.memory_space<hbm>>) target(%arg6 : memref<128x128xf32, #tpu.memory_space<vmem>>) offsets(%dma_start3A_93 : memref<128xi32, #tpu.memory_space<vmem>>) semaphore(%arg13 : memref<!tpu.dma_semaphore, #tpu.memory_space<semaphore_mem>>)
    %dma_wait3A_97 = arith.constant 0 : i32
    %dma_wait3A_98 = tpu.memref_slice %arg5[%dma_wait3A_97] : memref<6400xi32, #tpu.memory_space<vmem>> -> memref<128xi32, #tpu.memory_space<vmem>>
    %dma_wait3A_99 = arith.constant 0 : i32
    %dma_wait3A_100 = arith.constant 0 : i32
    %dma_wait3A_101 = tpu.memref_slice %arg2[%dma_wait3A_99, %dma_wait3A_100] : memref<100000x128xf32, #tpu.memory_space<hbm>> -> memref<100000x128xf32, #tpu.memory_space<hbm>>
    tpu.wait_indirect_dma semaphore(%arg15 : memref<!tpu.dma_semaphore, #tpu.memory_space<semaphore_mem>>) src(%dma_wait3A_101 : memref<100000x128xf32, #tpu.memory_space<hbm>>) dst(%arg8 : memref<128x128xf32, #tpu.memory_space<vmem>>)
    %dma_start3A_102 = arith.constant 44 : i32
    %dma_start3A_103 = arith.constant 0 : i32
    %dma_start3A_104 = arith.constant 0 : i32
    %dma_start3A_105 = tpu.memref_slice %arg8[%dma_start3A_103, %dma_start3A_104] : memref<128x128xf32, #tpu.memory_space<vmem>> -> memref<128x128xf32, #tpu.memory_space<vmem>>
    %dma_start3A_106 = arith.constant 0 : i32
    %dma_start3A_107 = tpu.memref_slice %arg4[%dma_start3A_102, %mul3A_2, %dma_start3A_106] : memref<50x4096x128xf32, #tpu.memory_space<hbm>> -> memref<1x128x128xf32, #tpu.memory_space<hbm>>
    %dma_start3A_108 = tpu.memref_squeeze %dma_start3A_107 : memref<1x128x128xf32, #tpu.memory_space<hbm>> -> memref<128x128xf32, #tpu.memory_space<hbm>>
    %dma_start3A_109 = arith.constant 0 : i32
    %dma_start3A_110 = tpu.memref_slice %arg4[%dma_start3A_102, %mul3A_2, %dma_start3A_109] : memref<50x4096x128xf32, #tpu.memory_space<hbm>> -> memref<1x128x128xf32, #tpu.memory_space<hbm>>
    %dma_start3A_111 = tpu.memref_squeeze %dma_start3A_110 : memref<1x128x128xf32, #tpu.memory_space<hbm>> -> memref<128x128xf32, #tpu.memory_space<hbm>>
    %dma_start3A_112 = arith.constant 0 : i32
    %dma_start3A_113 = arith.constant 0 : i32
    %dma_start3A_114 = tpu.memref_slice %arg8[%dma_start3A_112, %dma_start3A_113] : memref<128x128xf32, #tpu.memory_space<vmem>> -> memref<128x128xf32, #tpu.memory_space<vmem>>
    tpu.enqueue_dma source(%dma_start3A_114 : memref<128x128xf32, #tpu.memory_space<vmem>>) target(%dma_start3A_111 : memref<128x128xf32, #tpu.memory_space<hbm>>) target_semaphore(%arg22 : memref<!tpu.dma_semaphore, #tpu.memory_space<semaphore_mem>>)
    %dma_wait3A_115 = arith.constant 0 : i32
    %dma_wait3A_116 = tpu.memref_slice %arg5[%dma_wait3A_115] : memref<6400xi32, #tpu.memory_space<vmem>> -> memref<128xi32, #tpu.memory_space<vmem>>
    %dma_wait3A_117 = arith.constant 0 : i32
    %dma_wait3A_118 = arith.constant 0 : i32
    %dma_wait3A_119 = tpu.memref_slice %arg2[%dma_wait3A_117, %dma_wait3A_118] : memref<100000x128xf32, #tpu.memory_space<hbm>> -> memref<100000x128xf32, #tpu.memory_space<hbm>>
    tpu.wait_indirect_dma semaphore(%arg16 : memref<!tpu.dma_semaphore, #tpu.memory_space<semaphore_mem>>) src(%dma_wait3A_119 : memref<100000x128xf32, #tpu.memory_space<hbm>>) dst(%arg9 : memref<128x128xf32, #tpu.memory_space<vmem>>)
    %dma_start3A_120 = arith.constant 45 : i32
    %dma_start3A_121 = arith.constant 0 : i32
    %dma_start3A_122 = arith.constant 0 : i32
    %dma_start3A_123 = tpu.memref_slice %arg9[%dma_start3A_121, %dma_start3A_122] : memref<128x128xf32, #tpu.memory_space<vmem>> -> memref<128x128xf32, #tpu.memory_space<vmem>>
    %dma_start3A_124 = arith.constant 0 : i32
    %dma_start3A_125 = tpu.memref_slice %arg4[%dma_start3A_120, %mul3A_2, %dma_start3A_124] : memref<50x4096x128xf32, #tpu.memory_space<hbm>> -> memref<1x128x128xf32, #tpu.memory_space<hbm>>
    %dma_start3A_126 = tpu.memref_squeeze %dma_start3A_125 : memref<1x128x128xf32, #tpu.memory_space<hbm>> -> memref<128x128xf32, #tpu.memory_space<hbm>>
    %dma_start3A_127 = arith.constant 0 : i32
    %dma_start3A_128 = tpu.memref_slice %arg4[%dma_start3A_120, %mul3A_2, %dma_start3A_127] : memref<50x4096x128xf32, #tpu.memory_space<hbm>> -> memref<1x128x128xf32, #tpu.memory_space<hbm>>
    %dma_start3A_129 = tpu.memref_squeeze %dma_start3A_128 : memref<1x128x128xf32, #tpu.memory_space<hbm>> -> memref<128x128xf32, #tpu.memory_space<hbm>>
    %dma_start3A_130 = arith.constant 0 : i32
    %dma_start3A_131 = arith.constant 0 : i32
    %dma_start3A_132 = tpu.memref_slice %arg9[%dma_start3A_130, %dma_start3A_131] : memref<128x128xf32, #tpu.memory_space<vmem>> -> memref<128x128xf32, #tpu.memory_space<vmem>>
    tpu.enqueue_dma source(%dma_start3A_132 : memref<128x128xf32, #tpu.memory_space<vmem>>) target(%dma_start3A_129 : memref<128x128xf32, #tpu.memory_space<hbm>>) target_semaphore(%arg23 : memref<!tpu.dma_semaphore, #tpu.memory_space<semaphore_mem>>)
    %dma_wait3A_133 = arith.constant 0 : i32
    %dma_wait3A_134 = tpu.memref_slice %arg5[%dma_wait3A_133] : memref<6400xi32, #tpu.memory_space<vmem>> -> memref<128xi32, #tpu.memory_space<vmem>>
    %dma_wait3A_135 = arith.constant 0 : i32
    %dma_wait3A_136 = arith.constant 0 : i32
    %dma_wait3A_137 = tpu.memref_slice %arg2[%dma_wait3A_135, %dma_wait3A_136] : memref<100000x128xf32, #tpu.memory_space<hbm>> -> memref<100000x128xf32, #tpu.memory_space<hbm>>
    tpu.wait_indirect_dma semaphore(%arg17 : memref<!tpu.dma_semaphore, #tpu.memory_space<semaphore_mem>>) src(%dma_wait3A_137 : memref<100000x128xf32, #tpu.memory_space<hbm>>) dst(%arg10 : memref<128x128xf32, #tpu.memory_space<vmem>>)
    %dma_start3A_138 = arith.constant 46 : i32
    %dma_start3A_139 = arith.constant 0 : i32
    %dma_start3A_140 = arith.constant 0 : i32
    %dma_start3A_141 = tpu.memref_slice %arg10[%dma_start3A_139, %dma_start3A_140] : memref<128x128xf32, #tpu.memory_space<vmem>> -> memref<128x128xf32, #tpu.memory_space<vmem>>
    %dma_start3A_142 = arith.constant 0 : i32
    %dma_start3A_143 = tpu.memref_slice %arg4[%dma_start3A_138, %mul3A_2, %dma_start3A_142] : memref<50x4096x128xf32, #tpu.memory_space<hbm>> -> memref<1x128x128xf32, #tpu.memory_space<hbm>>
    %dma_start3A_144 = tpu.memref_squeeze %dma_start3A_143 : memref<1x128x128xf32, #tpu.memory_space<hbm>> -> memref<128x128xf32, #tpu.memory_space<hbm>>
    %dma_start3A_145 = arith.constant 0 : i32
    %dma_start3A_146 = tpu.memref_slice %arg4[%dma_start3A_138, %mul3A_2, %dma_start3A_145] : memref<50x4096x128xf32, #tpu.memory_space<hbm>> -> memref<1x128x128xf32, #tpu.memory_space<hbm>>
    %dma_start3A_147 = tpu.memref_squeeze %dma_start3A_146 : memref<1x128x128xf32, #tpu.memory_space<hbm>> -> memref<128x128xf32, #tpu.memory_space<hbm>>
    %dma_start3A_148 = arith.constant 0 : i32
    %dma_start3A_149 = arith.constant 0 : i32
    %dma_start3A_150 = tpu.memref_slice %arg10[%dma_start3A_148, %dma_start3A_149] : memref<128x128xf32, #tpu.memory_space<vmem>> -> memref<128x128xf32, #tpu.memory_space<vmem>>
    tpu.enqueue_dma source(%dma_start3A_150 : memref<128x128xf32, #tpu.memory_space<vmem>>) target(%dma_start3A_147 : memref<128x128xf32, #tpu.memory_space<hbm>>) target_semaphore(%arg24 : memref<!tpu.dma_semaphore, #tpu.memory_space<semaphore_mem>>)
    %dma_wait3A_151 = arith.constant 0 : i32
    %dma_wait3A_152 = tpu.memref_slice %arg5[%dma_wait3A_151] : memref<6400xi32, #tpu.memory_space<vmem>> -> memref<128xi32, #tpu.memory_space<vmem>>
    %dma_wait3A_153 = arith.constant 0 : i32
    %dma_wait3A_154 = arith.constant 0 : i32
    %dma_wait3A_155 = tpu.memref_slice %arg2[%dma_wait3A_153, %dma_wait3A_154] : memref<100000x128xf32, #tpu.memory_space<hbm>> -> memref<100000x128xf32, #tpu.memory_space<hbm>>
    tpu.wait_indirect_dma semaphore(%arg18 : memref<!tpu.dma_semaphore, #tpu.memory_space<semaphore_mem>>) src(%dma_wait3A_155 : memref<100000x128xf32, #tpu.memory_space<hbm>>) dst(%arg11 : memref<128x128xf32, #tpu.memory_space<vmem>>)
    %dma_start3A_156 = arith.constant 47 : i32
    %dma_start3A_157 = arith.constant 0 : i32
    %dma_start3A_158 = arith.constant 0 : i32
    %dma_start3A_159 = tpu.memref_slice %arg11[%dma_start3A_157, %dma_start3A_158] : memref<128x128xf32, #tpu.memory_space<vmem>> -> memref<128x128xf32, #tpu.memory_space<vmem>>
    %dma_start3A_160 = arith.constant 0 : i32
    %dma_start3A_161 = tpu.memref_slice %arg4[%dma_start3A_156, %mul3A_2, %dma_start3A_160] : memref<50x4096x128xf32, #tpu.memory_space<hbm>> -> memref<1x128x128xf32, #tpu.memory_space<hbm>>
    %dma_start3A_162 = tpu.memref_squeeze %dma_start3A_161 : memref<1x128x128xf32, #tpu.memory_space<hbm>> -> memref<128x128xf32, #tpu.memory_space<hbm>>
    %dma_start3A_163 = arith.constant 0 : i32
    %dma_start3A_164 = tpu.memref_slice %arg4[%dma_start3A_156, %mul3A_2, %dma_start3A_163] : memref<50x4096x128xf32, #tpu.memory_space<hbm>> -> memref<1x128x128xf32, #tpu.memory_space<hbm>>
    %dma_start3A_165 = tpu.memref_squeeze %dma_start3A_164 : memref<1x128x128xf32, #tpu.memory_space<hbm>> -> memref<128x128xf32, #tpu.memory_space<hbm>>
    %dma_start3A_166 = arith.constant 0 : i32
    %dma_start3A_167 = arith.constant 0 : i32
    %dma_start3A_168 = tpu.memref_slice %arg11[%dma_start3A_166, %dma_start3A_167] : memref<128x128xf32, #tpu.memory_space<vmem>> -> memref<128x128xf32, #tpu.memory_space<vmem>>
    tpu.enqueue_dma source(%dma_start3A_168 : memref<128x128xf32, #tpu.memory_space<vmem>>) target(%dma_start3A_165 : memref<128x128xf32, #tpu.memory_space<hbm>>) target_semaphore(%arg25 : memref<!tpu.dma_semaphore, #tpu.memory_space<semaphore_mem>>)
    %dma_wait3A_169 = arith.constant 0 : i32
    %dma_wait3A_170 = tpu.memref_slice %arg5[%dma_wait3A_169] : memref<6400xi32, #tpu.memory_space<vmem>> -> memref<128xi32, #tpu.memory_space<vmem>>
    %dma_wait3A_171 = arith.constant 0 : i32
    %dma_wait3A_172 = arith.constant 0 : i32
    %dma_wait3A_173 = tpu.memref_slice %arg2[%dma_wait3A_171, %dma_wait3A_172] : memref<100000x128xf32, #tpu.memory_space<hbm>> -> memref<100000x128xf32, #tpu.memory_space<hbm>>
    tpu.wait_indirect_dma semaphore(%arg19 : memref<!tpu.dma_semaphore, #tpu.memory_space<semaphore_mem>>) src(%dma_wait3A_173 : memref<100000x128xf32, #tpu.memory_space<hbm>>) dst(%arg12 : memref<128x128xf32, #tpu.memory_space<vmem>>)
    %dma_start3A_174 = arith.constant 48 : i32
    %dma_start3A_175 = arith.constant 0 : i32
    %dma_start3A_176 = arith.constant 0 : i32
    %dma_start3A_177 = tpu.memref_slice %arg12[%dma_start3A_175, %dma_start3A_176] : memref<128x128xf32, #tpu.memory_space<vmem>> -> memref<128x128xf32, #tpu.memory_space<vmem>>
    %dma_start3A_178 = arith.constant 0 : i32
    %dma_start3A_179 = tpu.memref_slice %arg4[%dma_start3A_174, %mul3A_2, %dma_start3A_178] : memref<50x4096x128xf32, #tpu.memory_space<hbm>> -> memref<1x128x128xf32, #tpu.memory_space<hbm>>
    %dma_start3A_180 = tpu.memref_squeeze %dma_start3A_179 : memref<1x128x128xf32, #tpu.memory_space<hbm>> -> memref<128x128xf32, #tpu.memory_space<hbm>>
    %dma_start3A_181 = arith.constant 0 : i32
    %dma_start3A_182 = tpu.memref_slice %arg4[%dma_start3A_174, %mul3A_2, %dma_start3A_181] : memref<50x4096x128xf32, #tpu.memory_space<hbm>> -> memref<1x128x128xf32, #tpu.memory_space<hbm>>
    %dma_start3A_183 = tpu.memref_squeeze %dma_start3A_182 : memref<1x128x128xf32, #tpu.memory_space<hbm>> -> memref<128x128xf32, #tpu.memory_space<hbm>>
    %dma_start3A_184 = arith.constant 0 : i32
    %dma_start3A_185 = arith.constant 0 : i32
    %dma_start3A_186 = tpu.memref_slice %arg12[%dma_start3A_184, %dma_start3A_185] : memref<128x128xf32, #tpu.memory_space<vmem>> -> memref<128x128xf32, #tpu.memory_space<vmem>>
    tpu.enqueue_dma source(%dma_start3A_186 : memref<128x128xf32, #tpu.memory_space<vmem>>) target(%dma_start3A_183 : memref<128x128xf32, #tpu.memory_space<hbm>>) target_semaphore(%arg26 : memref<!tpu.dma_semaphore, #tpu.memory_space<semaphore_mem>>)
    %dma_wait3A_187 = arith.constant 0 : i32
    %dma_wait3A_188 = tpu.memref_slice %arg5[%dma_wait3A_187] : memref<6400xi32, #tpu.memory_space<vmem>> -> memref<128xi32, #tpu.memory_space<vmem>>
    %dma_wait3A_189 = arith.constant 0 : i32
    %dma_wait3A_190 = arith.constant 0 : i32
    %dma_wait3A_191 = tpu.memref_slice %arg2[%dma_wait3A_189, %dma_wait3A_190] : memref<100000x128xf32, #tpu.memory_space<hbm>> -> memref<100000x128xf32, #tpu.memory_space<hbm>>
    tpu.wait_indirect_dma semaphore(%arg13 : memref<!tpu.dma_semaphore, #tpu.memory_space<semaphore_mem>>) src(%dma_wait3A_191 : memref<100000x128xf32, #tpu.memory_space<hbm>>) dst(%arg6 : memref<128x128xf32, #tpu.memory_space<vmem>>)
    %dma_start3A_192 = arith.constant 49 : i32
    %dma_start3A_193 = arith.constant 0 : i32
    %dma_start3A_194 = arith.constant 0 : i32
    %dma_start3A_195 = tpu.memref_slice %arg6[%dma_start3A_193, %dma_start3A_194] : memref<128x128xf32, #tpu.memory_space<vmem>> -> memref<128x128xf32, #tpu.memory_space<vmem>>
    %dma_start3A_196 = arith.constant 0 : i32
    %dma_start3A_197 = tpu.memref_slice %arg4[%dma_start3A_192, %mul3A_2, %dma_start3A_196] : memref<50x4096x128xf32, #tpu.memory_space<hbm>> -> memref<1x128x128xf32, #tpu.memory_space<hbm>>
    %dma_start3A_198 = tpu.memref_squeeze %dma_start3A_197 : memref<1x128x128xf32, #tpu.memory_space<hbm>> -> memref<128x128xf32, #tpu.memory_space<hbm>>
    %dma_start3A_199 = arith.constant 0 : i32
    %dma_start3A_200 = tpu.memref_slice %arg4[%dma_start3A_192, %mul3A_2, %dma_start3A_199] : memref<50x4096x128xf32, #tpu.memory_space<hbm>> -> memref<1x128x128xf32, #tpu.memory_space<hbm>>
    %dma_start3A_201 = tpu.memref_squeeze %dma_start3A_200 : memref<1x128x128xf32, #tpu.memory_space<hbm>> -> memref<128x128xf32, #tpu.memory_space<hbm>>
    %dma_start3A_202 = arith.constant 0 : i32
    %dma_start3A_203 = arith.constant 0 : i32
    %dma_start3A_204 = tpu.memref_slice %arg6[%dma_start3A_202, %dma_start3A_203] : memref<128x128xf32, #tpu.memory_space<vmem>> -> memref<128x128xf32, #tpu.memory_space<vmem>>
    tpu.enqueue_dma source(%dma_start3A_204 : memref<128x128xf32, #tpu.memory_space<vmem>>) target(%dma_start3A_201 : memref<128x128xf32, #tpu.memory_space<hbm>>) target_semaphore(%arg20 : memref<!tpu.dma_semaphore, #tpu.memory_space<semaphore_mem>>)
    %dma_wait3A_205 = arith.constant 0 : i32
    %dma_wait3A_206 = arith.constant 0 : i32
    %dma_wait3A_207 = arith.constant 0 : i32
    %dma_wait3A_208 = tpu.memref_slice %arg7[%dma_wait3A_206, %dma_wait3A_207] : memref<128x128xf32, #tpu.memory_space<vmem>> -> memref<128x128xf32, #tpu.memory_space<vmem>>
    %dma_wait3A_209 = arith.constant 0 : i32
    %dma_wait3A_210 = tpu.memref_slice %arg4[%dma_wait3A_205, %mul3A_2, %dma_wait3A_209] : memref<50x4096x128xf32, #tpu.memory_space<hbm>> -> memref<1x128x128xf32, #tpu.memory_space<hbm>>
    %dma_wait3A_211 = tpu.memref_squeeze %dma_wait3A_210 : memref<1x128x128xf32, #tpu.memory_space<hbm>> -> memref<128x128xf32, #tpu.memory_space<hbm>>
    %dma_wait3A_212 = arith.constant 0 : i32
    %dma_wait3A_213 = tpu.memref_slice %arg4[%dma_wait3A_205, %mul3A_2, %dma_wait3A_212] : memref<50x4096x128xf32, #tpu.memory_space<hbm>> -> memref<1x128x128xf32, #tpu.memory_space<hbm>>
    %dma_wait3A_214 = tpu.memref_squeeze %dma_wait3A_213 : memref<1x128x128xf32, #tpu.memory_space<hbm>> -> memref<128x128xf32, #tpu.memory_space<hbm>>
    %dma_wait3A_215 = arith.constant 0 : i32
    %dma_wait3A_216 = arith.constant 0 : i32
    %dma_wait3A_217 = tpu.memref_slice %arg7[%dma_wait3A_215, %dma_wait3A_216] : memref<128x128xf32, #tpu.memory_space<vmem>> -> memref<128x128xf32, #tpu.memory_space<vmem>>
    tpu.wait_dma2 semaphore(%arg21 : memref<!tpu.dma_semaphore, #tpu.memory_space<semaphore_mem>>) src(%dma_wait3A_217 : memref<128x128xf32, #tpu.memory_space<vmem>>) dst(%dma_wait3A_214 : memref<128x128xf32, #tpu.memory_space<hbm>>)
    %dma_wait3A_218 = arith.constant 0 : i32
    %dma_wait3A_219 = arith.constant 0 : i32
    %dma_wait3A_220 = arith.constant 0 : i32
    %dma_wait3A_221 = tpu.memref_slice %arg8[%dma_wait3A_219, %dma_wait3A_220] : memref<128x128xf32, #tpu.memory_space<vmem>> -> memref<128x128xf32, #tpu.memory_space<vmem>>
    %dma_wait3A_222 = arith.constant 0 : i32
    %dma_wait3A_223 = tpu.memref_slice %arg4[%dma_wait3A_218, %mul3A_2, %dma_wait3A_222] : memref<50x4096x128xf32, #tpu.memory_space<hbm>> -> memref<1x128x128xf32, #tpu.memory_space<hbm>>
    %dma_wait3A_224 = tpu.memref_squeeze %dma_wait3A_223 : memref<1x128x128xf32, #tpu.memory_space<hbm>> -> memref<128x128xf32, #tpu.memory_space<hbm>>
    %dma_wait3A_225 = arith.constant 0 : i32
    %dma_wait3A_226 = tpu.memref_slice %arg4[%dma_wait3A_218, %mul3A_2, %dma_wait3A_225] : memref<50x4096x128xf32, #tpu.memory_space<hbm>> -> memref<1x128x128xf32, #tpu.memory_space<hbm>>
    %dma_wait3A_227 = tpu.memref_squeeze %dma_wait3A_226 : memref<1x128x128xf32, #tpu.memory_space<hbm>> -> memref<128x128xf32, #tpu.memory_space<hbm>>
    %dma_wait3A_228 = arith.constant 0 : i32
    %dma_wait3A_229 = arith.constant 0 : i32
    %dma_wait3A_230 = tpu.memref_slice %arg8[%dma_wait3A_228, %dma_wait3A_229] : memref<128x128xf32, #tpu.memory_space<vmem>> -> memref<128x128xf32, #tpu.memory_space<vmem>>
    tpu.wait_dma2 semaphore(%arg22 : memref<!tpu.dma_semaphore, #tpu.memory_space<semaphore_mem>>) src(%dma_wait3A_230 : memref<128x128xf32, #tpu.memory_space<vmem>>) dst(%dma_wait3A_227 : memref<128x128xf32, #tpu.memory_space<hbm>>)
    %dma_wait3A_231 = arith.constant 0 : i32
    %dma_wait3A_232 = arith.constant 0 : i32
    %dma_wait3A_233 = arith.constant 0 : i32
    %dma_wait3A_234 = tpu.memref_slice %arg9[%dma_wait3A_232, %dma_wait3A_233] : memref<128x128xf32, #tpu.memory_space<vmem>> -> memref<128x128xf32, #tpu.memory_space<vmem>>
    %dma_wait3A_235 = arith.constant 0 : i32
    %dma_wait3A_236 = tpu.memref_slice %arg4[%dma_wait3A_231, %mul3A_2, %dma_wait3A_235] : memref<50x4096x128xf32, #tpu.memory_space<hbm>> -> memref<1x128x128xf32, #tpu.memory_space<hbm>>
    %dma_wait3A_237 = tpu.memref_squeeze %dma_wait3A_236 : memref<1x128x128xf32, #tpu.memory_space<hbm>> -> memref<128x128xf32, #tpu.memory_space<hbm>>
    %dma_wait3A_238 = arith.constant 0 : i32
    %dma_wait3A_239 = tpu.memref_slice %arg4[%dma_wait3A_231, %mul3A_2, %dma_wait3A_238] : memref<50x4096x128xf32, #tpu.memory_space<hbm>> -> memref<1x128x128xf32, #tpu.memory_space<hbm>>
    %dma_wait3A_240 = tpu.memref_squeeze %dma_wait3A_239 : memref<1x128x128xf32, #tpu.memory_space<hbm>> -> memref<128x128xf32, #tpu.memory_space<hbm>>
    %dma_wait3A_241 = arith.constant 0 : i32
    %dma_wait3A_242 = arith.constant 0 : i32
    %dma_wait3A_243 = tpu.memref_slice %arg9[%dma_wait3A_241, %dma_wait3A_242] : memref<128x128xf32, #tpu.memory_space<vmem>> -> memref<128x128xf32, #tpu.memory_space<vmem>>
    tpu.wait_dma2 semaphore(%arg23 : memref<!tpu.dma_semaphore, #tpu.memory_space<semaphore_mem>>) src(%dma_wait3A_243 : memref<128x128xf32, #tpu.memory_space<vmem>>) dst(%dma_wait3A_240 : memref<128x128xf32, #tpu.memory_space<hbm>>)
    %dma_wait3A_244 = arith.constant 0 : i32
    %dma_wait3A_245 = arith.constant 0 : i32
    %dma_wait3A_246 = arith.constant 0 : i32
    %dma_wait3A_247 = tpu.memref_slice %arg10[%dma_wait3A_245, %dma_wait3A_246] : memref<128x128xf32, #tpu.memory_space<vmem>> -> memref<128x128xf32, #tpu.memory_space<vmem>>
    %dma_wait3A_248 = arith.constant 0 : i32
    %dma_wait3A_249 = tpu.memref_slice %arg4[%dma_wait3A_244, %mul3A_2, %dma_wait3A_248] : memref<50x4096x128xf32, #tpu.memory_space<hbm>> -> memref<1x128x128xf32, #tpu.memory_space<hbm>>
    %dma_wait3A_250 = tpu.memref_squeeze %dma_wait3A_249 : memref<1x128x128xf32, #tpu.memory_space<hbm>> -> memref<128x128xf32, #tpu.memory_space<hbm>>
    %dma_wait3A_251 = arith.constant 0 : i32
    %dma_wait3A_252 = tpu.memref_slice %arg4[%dma_wait3A_244, %mul3A_2, %dma_wait3A_251] : memref<50x4096x128xf32, #tpu.memory_space<hbm>> -> memref<1x128x128xf32, #tpu.memory_space<hbm>>
    %dma_wait3A_253 = tpu.memref_squeeze %dma_wait3A_252 : memref<1x128x128xf32, #tpu.memory_space<hbm>> -> memref<128x128xf32, #tpu.memory_space<hbm>>
    %dma_wait3A_254 = arith.constant 0 : i32
    %dma_wait3A_255 = arith.constant 0 : i32
    %dma_wait3A_256 = tpu.memref_slice %arg10[%dma_wait3A_254, %dma_wait3A_255] : memref<128x128xf32, #tpu.memory_space<vmem>> -> memref<128x128xf32, #tpu.memory_space<vmem>>
    tpu.wait_dma2 semaphore(%arg24 : memref<!tpu.dma_semaphore, #tpu.memory_space<semaphore_mem>>) src(%dma_wait3A_256 : memref<128x128xf32, #tpu.memory_space<vmem>>) dst(%dma_wait3A_253 : memref<128x128xf32, #tpu.memory_space<hbm>>)
    %dma_wait3A_257 = arith.constant 0 : i32
    %dma_wait3A_258 = arith.constant 0 : i32
    %dma_wait3A_259 = arith.constant 0 : i32
    %dma_wait3A_260 = tpu.memref_slice %arg11[%dma_wait3A_258, %dma_wait3A_259] : memref<128x128xf32, #tpu.memory_space<vmem>> -> memref<128x128xf32, #tpu.memory_space<vmem>>
    %dma_wait3A_261 = arith.constant 0 : i32
    %dma_wait3A_262 = tpu.memref_slice %arg4[%dma_wait3A_257, %mul3A_2, %dma_wait3A_261] : memref<50x4096x128xf32, #tpu.memory_space<hbm>> -> memref<1x128x128xf32, #tpu.memory_space<hbm>>
    %dma_wait3A_263 = tpu.memref_squeeze %dma_wait3A_262 : memref<1x128x128xf32, #tpu.memory_space<hbm>> -> memref<128x128xf32, #tpu.memory_space<hbm>>
    %dma_wait3A_264 = arith.constant 0 : i32
    %dma_wait3A_265 = tpu.memref_slice %arg4[%dma_wait3A_257, %mul3A_2, %dma_wait3A_264] : memref<50x4096x128xf32, #tpu.memory_space<hbm>> -> memref<1x128x128xf32, #tpu.memory_space<hbm>>
    %dma_wait3A_266 = tpu.memref_squeeze %dma_wait3A_265 : memref<1x128x128xf32, #tpu.memory_space<hbm>> -> memref<128x128xf32, #tpu.memory_space<hbm>>
    %dma_wait3A_267 = arith.constant 0 : i32
    %dma_wait3A_268 = arith.constant 0 : i32
    %dma_wait3A_269 = tpu.memref_slice %arg11[%dma_wait3A_267, %dma_wait3A_268] : memref<128x128xf32, #tpu.memory_space<vmem>> -> memref<128x128xf32, #tpu.memory_space<vmem>>
    tpu.wait_dma2 semaphore(%arg25 : memref<!tpu.dma_semaphore, #tpu.memory_space<semaphore_mem>>) src(%dma_wait3A_269 : memref<128x128xf32, #tpu.memory_space<vmem>>) dst(%dma_wait3A_266 : memref<128x128xf32, #tpu.memory_space<hbm>>)
    %dma_wait3A_270 = arith.constant 0 : i32
    %dma_wait3A_271 = arith.constant 0 : i32
    %dma_wait3A_272 = arith.constant 0 : i32
    %dma_wait3A_273 = tpu.memref_slice %arg12[%dma_wait3A_271, %dma_wait3A_272] : memref<128x128xf32, #tpu.memory_space<vmem>> -> memref<128x128xf32, #tpu.memory_space<vmem>>
    %dma_wait3A_274 = arith.constant 0 : i32
    %dma_wait3A_275 = tpu.memref_slice %arg4[%dma_wait3A_270, %mul3A_2, %dma_wait3A_274] : memref<50x4096x128xf32, #tpu.memory_space<hbm>> -> memref<1x128x128xf32, #tpu.memory_space<hbm>>
    %dma_wait3A_276 = tpu.memref_squeeze %dma_wait3A_275 : memref<1x128x128xf32, #tpu.memory_space<hbm>> -> memref<128x128xf32, #tpu.memory_space<hbm>>
    %dma_wait3A_277 = arith.constant 0 : i32
    %dma_wait3A_278 = tpu.memref_slice %arg4[%dma_wait3A_270, %mul3A_2, %dma_wait3A_277] : memref<50x4096x128xf32, #tpu.memory_space<hbm>> -> memref<1x128x128xf32, #tpu.memory_space<hbm>>
    %dma_wait3A_279 = tpu.memref_squeeze %dma_wait3A_278 : memref<1x128x128xf32, #tpu.memory_space<hbm>> -> memref<128x128xf32, #tpu.memory_space<hbm>>
    %dma_wait3A_280 = arith.constant 0 : i32
    %dma_wait3A_281 = arith.constant 0 : i32
    %dma_wait3A_282 = tpu.memref_slice %arg12[%dma_wait3A_280, %dma_wait3A_281] : memref<128x128xf32, #tpu.memory_space<vmem>> -> memref<128x128xf32, #tpu.memory_space<vmem>>
    tpu.wait_dma2 semaphore(%arg26 : memref<!tpu.dma_semaphore, #tpu.memory_space<semaphore_mem>>) src(%dma_wait3A_282 : memref<128x128xf32, #tpu.memory_space<vmem>>) dst(%dma_wait3A_279 : memref<128x128xf32, #tpu.memory_space<hbm>>)
    %dma_wait3A_283 = arith.constant 0 : i32
    %dma_wait3A_284 = arith.constant 0 : i32
    %dma_wait3A_285 = arith.constant 0 : i32
    %dma_wait3A_286 = tpu.memref_slice %arg6[%dma_wait3A_284, %dma_wait3A_285] : memref<128x128xf32, #tpu.memory_space<vmem>> -> memref<128x128xf32, #tpu.memory_space<vmem>>
    %dma_wait3A_287 = arith.constant 0 : i32
    %dma_wait3A_288 = tpu.memref_slice %arg4[%dma_wait3A_283, %mul3A_2, %dma_wait3A_287] : memref<50x4096x128xf32, #tpu.memory_space<hbm>> -> memref<1x128x128xf32, #tpu.memory_space<hbm>>
    %dma_wait3A_289 = tpu.memref_squeeze %dma_wait3A_288 : memref<1x128x128xf32, #tpu.memory_space<hbm>> -> memref<128x128xf32, #tpu.memory_space<hbm>>
    %dma_wait3A_290 = arith.constant 0 : i32
    %dma_wait3A_291 = tpu.memref_slice %arg4[%dma_wait3A_283, %mul3A_2, %dma_wait3A_290] : memref<50x4096x128xf32, #tpu.memory_space<hbm>> -> memref<1x128x128xf32, #tpu.memory_space<hbm>>
    %dma_wait3A_292 = tpu.memref_squeeze %dma_wait3A_291 : memref<1x128x128xf32, #tpu.memory_space<hbm>> -> memref<128x128xf32, #tpu.memory_space<hbm>>
    %dma_wait3A_293 = arith.constant 0 : i32
    %dma_wait3A_294 = arith.constant 0 : i32
    %dma_wait3A_295 = tpu.memref_slice %arg6[%dma_wait3A_293, %dma_wait3A_294] : memref<128x128xf32, #tpu.memory_space<vmem>> -> memref<128x128xf32, #tpu.memory_space<vmem>>
    tpu.wait_dma2 semaphore(%arg20 : memref<!tpu.dma_semaphore, #tpu.memory_space<semaphore_mem>>) src(%dma_wait3A_295 : memref<128x128xf32, #tpu.memory_space<vmem>>) dst(%dma_wait3A_292 : memref<128x128xf32, #tpu.memory_space<hbm>>)
    return
  }
}

</mosaic_0001>

<sc_bundles>
// kernel: _sc_gather.3.cloned.1.call-start
scs
__scs_entry_jumppad:
0x0: {  	(pc) =	sbr.rel $0x88, $3  }
0x1: {  	(tag) =	ssettag $0x0;
	lr =	simm.s32 $0x1  }
0x2: {  	[smem:$0x3F9F] =	sst lr;
	_ =	strace $0xD0000000  }
0x3: {  	_ = 	snop  }
0x4: {  	_ = 	snop  }
0x5: {  	_ = 	snop  }
0x6: {  	_ = 	snop  }
0x7: {  	_ = 	snop  }
__scs_overlays_trampoline_lowered:
0x8: {  	[smem:$0x3FAE] =	sst s0  }
0x9: {  	[smem:$0x3FAF] =	sst s1  }
0xa: {  	[smem:$0x3FB0] =	sst s2  }
0xb: {  	[smem:$0x3FB1] =	sst s3  }
0xc: {  	[smem:$0x3FB2] =	sst s4  }
0xd: {  	[smem:$0x3FB3] =	sst s5  }
0xe: {  	[smem:$0x3FB4] =	sst s6  }
0xf: {  	[smem:$0x3FB5] =	sst s7  }
0x10: {  	[smem:$0x3FB6] =	sst s8  }
0x11: {  	[smem:$0x3FB7] =	sst s9;
	s0 =	simm.s32 @!p0 $0x0  }
0x12: {  	s1 =	sld [smem:$0x3F9D];
	s0 =	simm.s32 @p0 $0x1  }
0x13: {  	[smem:$0x3FB8] =	sst s0;
	s0 =	simm.s32 @!p1 $0x0  }
0x14: {  	s2 =	sld [smem:$0x3F9C];
	s0 =	simm.s32 @p1 $0x1  }
0x15: {  	[smem:$0x3FB9] =	sst s0;
	s0 =	simm.s32 @!p2 $0x0  }
0x16: {  	s3 =	sld [smem:$0x3FDB];
	s0 =	simm.s32 @p2 $0x1  }
0x17: {  	s4 =	simm.s32 $0x1BF5;
	[smem:$0x3FBB] =	sst s0  }
0x18: {  	s0 =	sld [smem:$0x3F9E];
	_ =	swait.ge [sflag:s4], $0x0  }
0x19: {  	s7 =	sld [smem:$0x3F9F]  }
0x1a: {  	s8 =	sadd.s32 $0xFFFFE003, lr  }
0x1b: {  	s9 =	sadd.s32 $0xFFFFFEF7, lr;
	s5 =	simm.s32 $0xFFFFFFFF;
	p2 =	slt.u32 s8, $0xFFFFF086  }
0x1c: {  	p1 =	slt.u32 s9, $0xF7A;
	s5 =	simm.s32 @!p2 $0x0  }
0x1d: {  	s5 =	simm.s32 @p1 $0x1;
	p0 =	seq.s32 s7, s2  }
0x1e: {  	s7 =	smul.u32 @!p0 $0xF7A, s2;
	p2 =	seq.s32 @!p0 s5, $0x0  }
0x1f: {  	s9 =	smul.u32 $0xF7A, s1;
	s8 =	simm.s32 @!p0 $0x1BF5;
	p2 =	por !p2, p0  }
0x20: {  	[sflag:s8] =	ssyncset.s32 @!p0 $0xFFFFF086;
	s6 =	sadd.s32 @!p0 s3, s7;
	s7 =	simm.s32 @!p0 $0x108  }
0x21: {  	s3 =	sadd.s32 s3, s9;
	s6 =	sadd.s32 @!p0 $0x88, s6;
	s7 =	simm.s32 @p2 $0x1082  }
0x22: {  	[simem:s7], [sflag:s8] =	dma.local @!p0 [hbm:s6], $0xF7A  }
0x23: {  	s9 =	sor.u32 $0xD0000000, s2;
	s6 =	simm.s32 $0x108;
	_ =	swait.ge @!p0 [sflag:s8], $0x0  }
0x24: {  	s3 =	sadd.s32 $0x88, s3;
	s6 =	simm.s32 @!p1 $0x1082;
	[sflag:s4] =	ssyncset.s32 $0xFFFFF086  }
0x25: {  	[simem:s6], [sflag:s4] =	dma.local [hbm:s3], $0xF7A  }
0x26: {  	[smem:$0x3F9F] =	sst s1;
	(tag) =	ssettag s2;
	_ =	strace s9  }
0x27: {  	s1 =	sld [smem:$0x3FAF]  }
0x28: {  	s2 =	sld [smem:$0x3FB0]  }
0x29: {  	s4 =	sld [smem:$0x3FB2]  }
0x2a: {  	p0 =	seq.s32 s5, $0x0;
	s5 =	sld [smem:$0x3FB3]  }
0x2b: {  	s6 =	sld [smem:$0x3FB4]  }
0x2c: {  	s7 =	sld [smem:$0x3FB5]  }
0x2d: {  	s3 =	simm.s32 $0x108;
	s8 =	sld [smem:$0x3FB6]  }
0x2e: {  	s3 =	simm.s32 @!p0 $0x1082;
	s9 =	sld [smem:$0x3FB7]  }
0x2f: {  	lr =	sadd.s32 s0, s3;
	s0 =	sld [smem:$0x3FAE]  }
0x30: {  	s3 =	sld [smem:$0x3FB1]  }
0x31: {  	[smem:$0x3FBA] =	sst s10  }
0x32: {  	s10 =	sld [smem:$0x3FB8];
	_ =	sdelay $0x3  }
0x33: {  	p0 =	seq.s32 s10, $0x1;
	s10 =	sld [smem:$0x3FBA];
	_ =	sdelay $0x3  }
0x34: {  	[smem:$0x3FBA] =	sst s10  }
0x35: {  	s10 =	sld [smem:$0x3FB9];
	_ =	sdelay $0x3  }
0x36: {  	p1 =	seq.s32 s10, $0x1;
	s10 =	sld [smem:$0x3FBA];
	_ =	sdelay $0x3  }
0x37: {  	[smem:$0x3FBA] =	sst s10  }
0x38: {  	s10 =	sld [smem:$0x3FBB]  }
0x39: {  	_ = 	snop;
	(pc) =	sbr.ind lr, $3  }
0x3a: {  	_ = 	snop  }
0x3b: {  	_ = 	snop  }
0x3c: {  	p2 =	seq.s32 s10, $0x1;
	s10 =	sld [smem:$0x3FBA]  }
0x3d: {  	_ =	shalt  }
0x3e: {  	_ =	shalt  }
0x3f: {  	_ =	shalt  }
0x40: {  	_ =	shalt  }
0x41: {  	_ =	shalt  }
0x42: {  	_ =	shalt  }
0x43: {  	_ =	shalt  }
0x44: {  	_ =	shalt  }
0x45: {  	_ =	shalt  }
0x46: {  	_ =	shalt  }
0x47: {  	_ =	shalt  }
0x48: {  	_ =	shalt  }
0x49: {  	_ =	shalt  }
0x4a: {  	_ =	shalt  }
0x4b: {  	_ =	shalt  }
0x4c: {  	_ =	shalt  }
0x4d: {  	_ =	shalt  }
0x4e: {  	_ =	shalt  }
0x4f: {  	_ =	shalt  }
0x50: {  	_ =	shalt  }
0x51: {  	_ =	shalt  }
0x52: {  	_ =	shalt  }
0x53: {  	_ =	shalt  }
0x54: {  	_ =	shalt  }
0x55: {  	_ =	shalt  }
0x56: {  	_ =	shalt  }
0x57: {  	_ =	shalt  }
0x58: {  	_ =	shalt  }
0x59: {  	_ =	shalt  }
0x5a: {  	_ =	shalt  }
0x5b: {  	_ =	shalt  }
0x5c: {  	_ =	shalt  }
0x5d: {  	_ =	shalt  }
0x5e: {  	_ =	shalt  }
0x5f: {  	_ =	shalt  }
0x60: {  	_ =	shalt  }
0x61: {  	_ =	shalt  }
0x62: {  	_ =	shalt  }
0x63: {  	_ =	shalt  }
0x64: {  	_ =	shalt  }
0x65: {  	_ =	shalt  }
0x66: {  	_ =	shalt  }
0x67: {  	_ =	shalt  }
0x68: {  	_ =	shalt  }
0x69: {  	_ =	shalt  }
0x6a: {  	_ =	shalt  }
0x6b: {  	_ =	shalt  }
0x6c: {  	_ =	shalt  }
0x6d: {  	_ =	shalt  }
0x6e: {  	_ =	shalt  }
0x6f: {  	_ =	shalt  }
0x70: {  	_ =	shalt  }
0x71: {  	_ =	shalt  }
0x72: {  	_ =	shalt  }
0x73: {  	_ =	shalt  }
0x74: {  	_ =	shalt  }
0x75: {  	_ =	shalt  }
0x76: {  	_ =	shalt  }
0x77: {  	_ =	shalt  }
0x78: {  	_ =	shalt  }
0x79: {  	_ =	shalt  }
0x7a: {  	_ =	shalt  }
0x7b: {  	_ =	shalt  }
0x7c: {  	_ =	shalt  }
0x7d: {  	_ =	shalt  }
0x7e: {  	_ =	shalt  }
0x7f: {  	_ =	shalt  }
0x80: {  	_ =	shalt  }
0x81: {  	_ =	shalt  }
0x82: {  	_ =	shalt  }
0x83: {  	_ =	shalt  }
0x84: {  	_ =	shalt  }
0x85: {  	_ =	shalt  }
0x86: {  	_ =	shalt  }
0x87: {  	_ =	shalt  }
.Lfunc_end0:
.L_simem_size_0:
called_computation_lowered:
.L_overlay_start_0:
0x88: {  	s2 =	sld [smem:$0x3FD9]  }
0x89: {  	s3 =	sld [smem:$0x3FFE];
	_ =	sdelay $0x1  }
0x8a: {  	s1 =	srdreg.scid  }
0x8b: {  	s0 =	sand.u32 $0x1, s1  }
0x8c: {  	s18 =	sshll.u32 s0, $0xA;
	s2 =	sadd.s32 s3, s2  }
0x8d: {  	s2 =	sadd.s32 s2, s18  }
0x8e: {  	[smem:$0x3FC6] =	sst s2  }
0x8f: {  	_ = 	snop  }
0x90: {  	s2 =	sld [smem:$0x3FC9]  }
0x91: {  	s19 =	sld [smem:$0x3FC8]  }
0x92: {  	s4 =	sld [smem:$0x3FD0];
	(tm) =	ssettm $0x1  }
0x93: {  	s5 =	sld [smem:$0x3FFB];
	_ =	sdelay $0x3  }
0x94: {  	_ =	strace s5  }
0x95: {  	s5 =	sld [smem:$0x3FFC];
	_ =	sdelay $0x3  }
0x96: {  	_ =	strace s5  }
0x97: {  	s5 =	sld [smem:$0x3FFD];
	_ =	sdelay $0x3  }
0x98: {  	_ =	strace s5  }
0x99: {  	_ =	strace $0x8FFFFFFF  }
0x9a: {  	s20 =	sld [smem:$0x3FDB];
	_ =	sdelay $0x1  }
0x9b: {  	s6 =	simm.s32 $_scs_section_size  }
0x9c: {  	s7 =	simm.s32 $_size__tile_overlayer_lowered;
	s8 =	simm.s32 $_tile_overlayer_lowered  }
0x9d: {  	s23 =	simm.s32 $0x1BFF;
	s22 =	sshll.u32 s8, $0x1;
	s5 =	sadd.s32 s6, s20  }
0x9e: {  	s9 =	simm.s32 $0x0;
	s21 =	sshll.u32 s7, $0x1;
	s7 =	sadd.s32 s22, s5  }
0x9f: {  	[timem:s9], [sflag:s23] =	dma.local [hbm:s7], s21  }
0xa0: {  	_ =	swait.ge [sflag:s23], s21  }
0xa1: {  	s6 =	ssub.s32 $0x0, s21;
	[sflag:s23] =	ssyncset.done $0x0  }
0xa2: {  	[sflag:s23] =	ssyncadd.s32 s6;
	_ =	sdelay $0x1  }
0xa3: {  	s24 =	simm.s32 $0x1B8B  }
0xa4: {  	_ =	swait.ge [sflag:s24], $0x1  }
0xa5: {  	[sflag:s24] =	ssyncset.done $0x0  }
0xa6: {  	s25 =	simm.s32 $0x1B8E;
	[sflag:s24] =	ssyncadd.s32 $0xFFFFFFFF  }
0xa7: {  	s26 =	simm.s32 $execute0_lowered;
	[smem:$0x3FD2] =	sst s25  }
0xa8: {  	s6 =	sshll.u32 s26, $0x1;
	_ =	strace $0x80000046;
	[dreg:$0x1] =	wrdreg $0xFFFFFFFF  }
0xa9: {  	s28 =	simm.s32 $_size_execute0_lowered;
	s5 =	sadd.s32 s5, s6;
	[dreg:$0x0] =	wrdreg $0x0  }
0xaa: {  	s6 =	sshll.u32 s28, $0x1;
	[dreg:$0x2] =	wrdreg s5  }
0xab: {  	[dreg:$0x3] =	wrdreg s6  }
0xac: {  	[dreg:$0x4] =	wrdreg $0xC0  }
0xad: {  	_ =	task [dreg:s9], $0x5FFFF  }
0xae: {  	[dreg:$0x1] =	wrdreg $0xFFFFFFFF  }
0xaf: {  	[dreg:$0x0] =	wrdreg $0x60  }
0xb0: {  	[dreg:$0x2] =	wrdreg s2  }
0xb1: {  	[dreg:$0x3] =	wrdreg s19  }
0xb2: {  	[dreg:$0x4] =	wrdreg s4  }
0xb3: {  	[dreg:$0x5] =	wrdreg $0x9  }
0xb4: {  	_ =	task.clear_ibuf [dreg:s9], $0x6FFFF;
	_ =	strace $0x90000046  }
0xb5: {  	s29 =	simm.s32 $0x9;
	_ =	strace $0x80000048  }
0xb6: {  	_ =	swait.ge [sflag:s29], $0x1  }
0xb7: {  	[sflag:s29] =	ssyncadd.s32 $0xFFFFFFFF  }
0xb8: {  	_ =	strace $0x90000048  }
0xb9: {  	_ =	sfence  }
0xba: {  	s30 =	sld [smem:$0x0];
	_ =	sdelay $0x2  }
0xbb: {  	s31 =	sshll.u32 s1, $0xD;
	s1 =	sshrl.u32 s1, $0x2  }
0xbc: {  	s3 =	sand.u32 $0x4000, s31;
	s1 =	sadd.s32 s1, s30  }
0xbd: {  	s0 =	sor.u32 s3, s0;
	s1 =	sshll.u32 s1, $0x11  }
0xbe: {  	s0 =	sor.u32 s1, s0  }
0xbf: {  	s0 =	sadd.s32 $0x8F2B, s0  }
0xc0: {  	[sflag:s0] =	ssyncadd.remote.s32 $0x1  }
0xc1: {  	_ =	sfence.sel $0xFFFF  }
0xc2: {  	[dreg:$0x0] =	wrdreg $0xFFFFFFFF;
	(pc) =	sbr.abs _section_cstart, $3  }
0xc3: {  	[dreg:$0x1] =	wrdreg $0xFFFFFFFF  }
0xc4: {  	_ =	task.clear_ibuf [dreg:s9], $0x2FFFF;
	_ =	strace $0x9FFFFFFF  }
0xc5: {  	(tm) =	ssettm $0x7FFFFFFF  }
tec
execute0_lowered:
.L_overlay_start_1:
0x0: {  	(tag) =	ssettag $0x1  }
0x1: {  	s1 =	rddreg [dreg:$0x0]  }
0x2: {  	s2 =	srdreg.scid;
	s8 =	stileid.u32  }
0x3: {  	s0 =	rddreg [dreg:$0x1];
	s2 =	sand.u32 $0x1, s2;
	s3 =	sshll.u32 s8, $0x1  }
0x4: {  	s30 =	rddreg [dreg:$0x2];
	s4 =	simm.s32 $0x0;
	s3 =	sor.u32 s2, s3  }
0x5: {  	[smem:$0x7FF] =	sst s4;
	s6 =	smul.u32 $0x320, s3;
	s3 =	sshll.u32 s3, $0xB  }
0x6: {  	s5 =	ssub.s32 $0x2, s2;
	_ =	strace $0x80000047;
	s3 =	sadd.s32 s30, s3  }
0x7: {  	s7 =	sshrl.u32 s5, $0x1;
	s0 =	sadd.s32 s0, s6;
	[dreg:$0x5] =	wrdreg s3  }
0x8: {  	s5 =	ssub.s32 s5, s7;
	s7 =	sadd.s32 $0x2B0000, s3;
	[dreg:$0x4] =	wrdreg s0  }
0x9: {  	s9 =	sadd.s32 $0x2C0000, s3;
	[dreg:$0x6] =	wrdreg s7  }
0xa: {  	s10 =	sadd.s32 $0x2D0000, s3;
	[dreg:$0x7] =	wrdreg s9  }
0xb: {  	s11 =	sadd.s32 $0x2E0000, s3;
	[dreg:$0x8] =	wrdreg s10  }
0xc: {  	s13 =	sadd.s32 $0x2F0000, s3;
	[dreg:$0x9] =	wrdreg s11  }
0xd: {  	s31 =	simm.s32 $0x5900;
	s14 =	sadd.s32 $0x300000, s3;
	[dreg:$0xa] =	wrdreg s13  }
0xe: {  	s12 =	sshll.u32 s8, $0xF;
	s15 =	sadd.s32 $0x310000, s3;
	[dreg:$0xb] =	wrdreg s14  }
0xf: {  	s2 =	sshll.u32 s2, $0xE;
	s16 =	smax.u32 s5, $0x1;
	[dreg:$0xc] =	wrdreg s15  }
0x10: {  	s6 =	simm.s32 $0x7;
	s0 =	sor.u32 s2, s12;
	[dreg:$0xd] =	wrdreg s16  }
0x11: {  	s10 =	simm.s32 $0xA;
	s11 =	simm.s32 $0x5;
	s12 =	simm.s32 $0xB  }
0x12: {  	s13 =	simm.s32 $0x6;
	s14 =	simm.s32 $0xC;
	s15 =	simm.s32 $0xE  }
0x13: {  	s17 =	sor.u32 $0x300000, s0;
	s18 =	sor.u32 $0x280000, s0;
	s19 =	sor.u32 $0x200000, s0  }
0x14: {  	s23 =	sor.u32 $0x180000, s0;
	s24 =	sor.u32 $0x100000, s0;
	s25 =	sor.u32 $0x80000, s0  }
0x15: {  	s0 =	sor.u32 $0x380000, s0;
	s2 =	sshrl.u32 s17, $0x3;
	s20 =	sshrl.u32 s18, $0x3  }
0x16: {  	s21 =	sshrl.u32 s19, $0x3;
	[dreg:$0x14] =	wrdreg s0;
	s2 =	sadd.s32 s2, s30  }
0x17: {  	s26 =	sshrl.u32 s24, $0x3;
	s22 =	sadd.s32 s21, s30;
	[dreg:$0xe] =	wrdreg s2  }
0x18: {  	s28 =	sshrl.u32 s25, $0x3;
	s2 =	sadd.s32 s20, s30;
	[dreg:$0x10] =	wrdreg s22  }
0x19: {  	s29 =	sadd.s32 s28, s30;
	[dreg:$0xf] =	wrdreg s2;
	s2 =	sshrl.u32 s23, $0x3  }
0x1a: {  	s0 =	simm.s32 $0x0;
	[dreg:$0x13] =	wrdreg s29;
	s2 =	sadd.s32 s2, s30  }
0x1b: {  	s22 =	simm.s32 $0xD;
	[dreg:$0x11] =	wrdreg s2;
	s2 =	sadd.s32 s26, s30  }
0x1c: {  	s23 =	simm.s32 $0x80;
	s26 =	simm.s32 $0x1900;
	[dreg:$0x12] =	wrdreg s2  }
.LBB2_1:
0x1d: {  	[dreg:$0x15] =	wrdreg s0  }
0x1e: {  	s2 =	rddreg [dreg:$0x4];
	s7 =	simm.s32 $0xF  }
0x1f: {  	[tilespmem:s4], [sflag:$0xF] =	stream.linear.gather [hbm4b:s2+s4], $0x1900, $0x38;
	[tilespmem:$0x1D900] =	vst v63  }
0x20: {  	_ =	swait.ge [sflag:s7], $0x1900  }
0x21: {  	[sflag:s7] =	ssyncset.done $0x0  }
0x22: {  	s25 =	simm.s32 $0x1900;
	[sflag:s7] =	ssyncadd.s32 $0xFFFFE700  }
0x23: {  	[tilespmem:s25], [sflag:$0x1] =	stream.indirect.gather [hbm4b:s1+s23], $0x80, s4, s23, $0xb8;
	[tilespmem:$0x1D900] =	vst v63  }
0x24: {  	s16 =	simm.s32 $0x5900  }
0x25: {  	[tilespmem:s16], [sflag:$0x2] =	stream.indirect.gather [hbm4b:s1+s23], $0x80, s23, s23, $0xb8;
	[tilespmem:$0x1D900] =	vst v63  }
0x26: {  	s8 =	simm.s32 $0x100;
	s17 =	simm.s32 $0x9900  }
0x27: {  	[tilespmem:s17], [sflag:$0x3] =	stream.indirect.gather [hbm4b:s1+s23], $0x80, s8, s23, $0xb8;
	[tilespmem:$0x1D900] =	vst v63  }
0x28: {  	s9 =	simm.s32 $0x180;
	s18 =	simm.s32 $0xD900  }
0x29: {  	[tilespmem:s18], [sflag:$0x4] =	stream.indirect.gather [hbm4b:s1+s23], $0x80, s9, s23, $0xb8;
	[tilespmem:$0x1D900] =	vst v63  }
0x2a: {  	s19 =	simm.s32 $0x200;
	s5 =	simm.s32 $0x11900  }
0x2b: {  	[tilespmem:s5], [sflag:$0x5] =	stream.indirect.gather [hbm4b:s1+s23], $0x80, s19, s23, $0xb8;
	[tilespmem:$0x1D900] =	vst v63  }
0x2c: {  	s20 =	simm.s32 $0x280;
	s7 =	simm.s32 $0x15900  }
0x2d: {  	[tilespmem:s7], [sflag:$0x6] =	stream.indirect.gather [hbm4b:s1+s23], $0x80, s20, s23, $0xb8;
	[tilespmem:$0x1D900] =	vst v63  }
0x2e: {  	s21 =	simm.s32 $0x300;
	s0 =	simm.s32 $0x1;
	s8 =	simm.s32 $0x19900  }
0x2f: {  	[tilespmem:s8], [sflag:$0x7] =	stream.indirect.gather [hbm4b:s1+s23], $0x80, s21, s23, $0xb8;
	[tilespmem:$0x1D900] =	vst v63  }
0x30: {  	_ =	swait.ge [sflag:s0], $0x4000  }
0x31: {  	[sflag:s0] =	ssyncset.done $0x0  }
0x32: {  	s28 =	simm.s32 $0x2;
	s24 =	rddreg [dreg:$0x5];
	[sflag:s0] =	ssyncadd.s32 $0xFFFFC000  }
0x33: {  	[hbm4b:s24+s4] =	stream.linear.scatter [tilespmem:s25], [sflag:$0x8], $0x4000, $0x38;
	[tilespmem:$0x1D900] =	vst v63  }
0x34: {  	_ =	swait.ge [sflag:s28], $0x4000  }
0x35: {  	[sflag:s28] =	ssyncset.done $0x0  }
0x36: {  	s29 =	simm.s32 $0x8;
	s19 =	rddreg [dreg:$0x13];
	[sflag:s28] =	ssyncadd.s32 $0xFFFFC000  }
0x37: {  	[hbm4b:s19+s4] =	stream.linear.scatter [tilespmem:s16], [sflag:$0x9], $0x4000, $0x38;
	[tilespmem:$0x1D900] =	vst v63  }
0x38: {  	_ =	swait.ge [sflag:s29], $0x4000  }
0x39: {  	[sflag:s29] =	ssyncset.done $0x0  }
0x3a: {  	s3 =	simm.s32 $0x380;
	[sflag:s29] =	ssyncadd.s32 $0xFFFFC000  }
0x3b: {  	[tilespmem:s25], [sflag:$0x1] =	stream.indirect.gather [hbm4b:s1+s23], $0x80, s3, s23, $0xb8;
	[tilespmem:$0x1D900] =	vst v63  }
0x3c: {  	s3 =	simm.s32 $0x3  }
0x3d: {  	_ =	swait.ge [sflag:s3], $0x4000  }
0x3e: {  	[sflag:s3] =	ssyncset.done $0x0  }
0x3f: {  	s9 =	simm.s32 $0x9;
	s21 =	rddreg [dreg:$0x12];
	[sflag:s3] =	ssyncadd.s32 $0xFFFFC000  }
0x40: {  	[hbm4b:s21+s4] =	stream.linear.scatter [tilespmem:s17], [sflag:$0xA], $0x4000, $0x38;
	[tilespmem:$0x1D900] =	vst v63  }
0x41: {  	_ =	swait.ge [sflag:s9], $0x4000  }
0x42: {  	[sflag:s9] =	ssyncset.done $0x0  }
0x43: {  	s20 =	simm.s32 $0x400;
	s24 =	simm.s32 $0x4;
	[sflag:s9] =	ssyncadd.s32 $0xFFFFC000  }
0x44: {  	[tilespmem:s16], [sflag:$0x2] =	stream.indirect.gather [hbm4b:s1+s23], $0x80, s20, s23, $0xb8;
	[tilespmem:$0x1D900] =	vst v63  }
0x45: {  	_ =	swait.ge [sflag:s24], $0x4000  }
0x46: {  	[sflag:s24] =	ssyncset.done $0x0  }
0x47: {  	s20 =	rddreg [dreg:$0x11];
	[sflag:s24] =	ssyncadd.s32 $0xFFFFC000  }
0x48: {  	[hbm4b:s20+s4] =	stream.linear.scatter [tilespmem:s18], [sflag:$0xB], $0x4000, $0x38;
	[tilespmem:$0x1D900] =	vst v63  }
0x49: {  	_ =	swait.ge [sflag:s10], $0x4000  }
0x4a: {  	[sflag:s10] =	ssyncset.done $0x0  }
0x4b: {  	s28 =	simm.s32 $0x480;
	[sflag:s10] =	ssyncadd.s32 $0xFFFFC000  }
0x4c: {  	[tilespmem:s17], [sflag:$0x3] =	stream.indirect.gather [hbm4b:s1+s23], $0x80, s28, s23, $0xb8;
	[tilespmem:$0x1D900] =	vst v63  }
0x4d: {  	_ =	swait.ge [sflag:s11], $0x4000  }
0x4e: {  	[sflag:s11] =	ssyncset.done $0x0  }
0x4f: {  	s24 =	rddreg [dreg:$0x10];
	[sflag:s11] =	ssyncadd.s32 $0xFFFFC000  }
0x50: {  	[hbm4b:s24+s4] =	stream.linear.scatter [tilespmem:s5], [sflag:$0xC], $0x4000, $0x38;
	[tilespmem:$0x1D900] =	vst v63  }
0x51: {  	_ =	swait.ge [sflag:s12], $0x4000  }
0x52: {  	[sflag:s12] =	ssyncset.done $0x0  }
0x53: {  	s29 =	simm.s32 $0x500;
	[sflag:s12] =	ssyncadd.s32 $0xFFFFC000  }
0x54: {  	[tilespmem:s18], [sflag:$0x4] =	stream.indirect.gather [hbm4b:s1+s23], $0x80, s29, s23, $0xb8;
	[tilespmem:$0x1D900] =	vst v63  }
0x55: {  	_ =	swait.ge [sflag:s13], $0x4000  }
0x56: {  	[sflag:s13] =	ssyncset.done $0x0  }
0x57: {  	s16 =	rddreg [dreg:$0xf];
	[sflag:s13] =	ssyncadd.s32 $0xFFFFC000  }
0x58: {  	[hbm4b:s16+s4] =	stream.linear.scatter [tilespmem:s7], [sflag:$0xD], $0x4000, $0x38;
	[tilespmem:$0x1D900] =	vst v63  }
0x59: {  	_ =	swait.ge [sflag:s14], $0x4000  }
0x5a: {  	[sflag:s14] =	ssyncset.done $0x0  }
0x5b: {  	s2 =	simm.s32 $0x580;
	[sflag:s14] =	ssyncadd.s32 $0xFFFFC000  }
0x5c: {  	[tilespmem:s5], [sflag:$0x5] =	stream.indirect.gather [hbm4b:s1+s23], $0x80, s2, s23, $0xb8;
	[tilespmem:$0x1D900] =	vst v63  }
0x5d: {  	_ =	swait.ge [sflag:s6], $0x4000  }
0x5e: {  	[sflag:s6] =	ssyncset.done $0x0  }
0x5f: {  	s9 =	rddreg [dreg:$0xe];
	[sflag:s6] =	ssyncadd.s32 $0xFFFFC000  }
0x60: {  	[hbm4b:s9+s4] =	stream.linear.scatter [tilespmem:s8], [sflag:$0xE], $0x4000, $0x38;
	[tilespmem:$0x1D900] =	vst v63  }
0x61: {  	_ =	swait.ge [sflag:s22], $0x4000  }
0x62: {  	[sflag:s22] =	ssyncset.done $0x0  }
0x63: {  	s28 =	simm.s32 $0x600;
	[sflag:s22] =	ssyncadd.s32 $0xFFFFC000  }
0x64: {  	[tilespmem:s7], [sflag:$0x6] =	stream.indirect.gather [hbm4b:s1+s23], $0x80, s28, s23, $0xb8;
	[tilespmem:$0x1D900] =	vst v63  }
0x65: {  	_ =	swait.ge [sflag:s0], $0x4000  }
0x66: {  	s19 =	sadd.s32 $0x70000, s19;
	s29 =	rddreg [dreg:$0x14]  }
0x67: {  	s21 =	sadd.s32 $0x70000, s21;
	[sflag:s0] =	ssyncset.done $0x0;
	s3 =	sshrl.u32 s29, $0x3  }
0x68: {  	s20 =	sadd.s32 $0x70000, s20;
	[sflag:s0] =	ssyncadd.s32 $0xFFFFC000;
	s3 =	sadd.s32 s30, s3  }
0x69: {  	[hbm4b:s3+s4] =	stream.linear.scatter [tilespmem:s25], [sflag:$0x8], $0x4000, $0x38;
	[tilespmem:$0x1D900] =	vst v63  }
0x6a: {  	s17 =	simm.s32 $0xE00;
	s16 =	sadd.s32 $0x70000, s16;
	_ =	swait.ge [sflag:s15], $0x4000  }
0x6b: {  	s18 =	sadd.s32 $0x380000, s29;
	s3 =	sadd.s32 $0x70000, s24;
	[sflag:s15] =	ssyncset.done $0x0  }
0x6c: {  	s25 =	simm.s32 $0x680;
	s24 =	sadd.s32 $0x70000, s9;
	[sflag:s15] =	ssyncadd.s32 $0xFFFFC000  }
.LBB2_2:
0x6d: {  	s9 =	simm.s32 $0x19900  }
0x6e: {  	[tilespmem:s9], [sflag:$0x7] =	stream.indirect.gather [hbm4b:s1+s23], $0x80, s25, s23, $0xb8;
	[tilespmem:$0x1D900] =	vst v63  }
0x6f: {  	s28 =	smov.u32 s18;
	s0 =	simm.s32 $0x2;
	s25 =	smov.u32 s17  }
0x70: {  	p0 =	sne.s32 s17, $0x4600;
	s17 =	sadd.s32 $0xE00, s17;
	_ =	swait.ge [sflag:s0], $0x4000  }
0x71: {  	[sflag:s0] =	ssyncset.done $0x0  }
0x72: {  	s2 =	simm.s32 $0x8;
	[sflag:s0] =	ssyncadd.s32 $0xFFFFC000;
	s0 =	simm.s32 $0x5900  }
0x73: {  	[hbm4b:s19+s4] =	stream.linear.scatter [tilespmem:s0], [sflag:$0x9], $0x4000, $0x38;
	[tilespmem:$0x1D900] =	vst v63  }
0x74: {  	_ =	swait.ge [sflag:s2], $0x4000  }
0x75: {  	s5 =	simm.s32 $0x3;
	s25 =	sshra.s32 s25, $0x2;
	[sflag:s2] =	ssyncset.done $0x0  }
0x76: {  	[sflag:s2] =	ssyncadd.s32 $0xFFFFC000;
	s2 =	smov.u32 s30;
	s30 =	sadd.s32 $0x380, s25  }
0x77: {  	[tilespmem:s26], [sflag:$0x1] =	stream.indirect.gather [hbm4b:s1+s23], $0x80, s30, s23, $0xb8;
	[tilespmem:$0x1D900] =	vst v63  }
0x78: {  	_ =	swait.ge [sflag:s5], $0x4000  }
0x79: {  	[sflag:s5] =	ssyncset.done $0x0  }
0x7a: {  	s29 =	simm.s32 $0x9900;
	[sflag:s5] =	ssyncadd.s32 $0xFFFFC000;
	s5 =	simm.s32 $0x9  }
0x7b: {  	[hbm4b:s21+s4] =	stream.linear.scatter [tilespmem:s29], [sflag:$0xA], $0x4000, $0x38;
	[tilespmem:$0x1D900] =	vst v63  }
0x7c: {  	_ =	swait.ge [sflag:s5], $0x4000  }
0x7d: {  	[sflag:s5] =	ssyncset.done $0x0  }
0x7e: {  	s30 =	sadd.s32 $0x400, s25;
	[sflag:s5] =	ssyncadd.s32 $0xFFFFC000  }
0x7f: {  	[tilespmem:s0], [sflag:$0x2] =	stream.indirect.gather [hbm4b:s1+s23], $0x80, s30, s23, $0xb8;
	[tilespmem:$0x1D900] =	vst v63  }
0x80: {  	s0 =	simm.s32 $0x4  }
0x81: {  	_ =	swait.ge [sflag:s0], $0x4000  }
0x82: {  	[sflag:s0] =	ssyncset.done $0x0  }
0x83: {  	s5 =	simm.s32 $0xD900;
	[sflag:s0] =	ssyncadd.s32 $0xFFFFC000  }
0x84: {  	[hbm4b:s20+s4] =	stream.linear.scatter [tilespmem:s5], [sflag:$0xB], $0x4000, $0x38;
	[tilespmem:$0x1D900] =	vst v63  }
0x85: {  	_ =	swait.ge [sflag:s10], $0x4000  }
0x86: {  	[sflag:s10] =	ssyncset.done $0x0  }
0x87: {  	s30 =	sadd.s32 $0x480, s25;
	s0 =	simm.s32 $0x9900;
	[sflag:s10] =	ssyncadd.s32 $0xFFFFC000  }
0x88: {  	[tilespmem:s29], [sflag:$0x3] =	stream.indirect.gather [hbm4b:s1+s23], $0x80, s30, s23, $0xb8;
	[tilespmem:$0x1D900] =	vst v63  }
0x89: {  	_ =	swait.ge [sflag:s11], $0x4000  }
0x8a: {  	[sflag:s11] =	ssyncset.done $0x0  }
0x8b: {  	s7 =	simm.s32 $0x11900;
	[sflag:s11] =	ssyncadd.s32 $0xFFFFC000  }
0x8c: {  	[hbm4b:s3+s4] =	stream.linear.scatter [tilespmem:s7], [sflag:$0xC], $0x4000, $0x38;
	[tilespmem:$0x1D900] =	vst v63  }
0x8d: {  	_ =	swait.ge [sflag:s12], $0x4000  }
0x8e: {  	[sflag:s12] =	ssyncset.done $0x0  }
0x8f: {  	s30 =	sadd.s32 $0x500, s25;
	s29 =	simm.s32 $0xD900;
	[sflag:s12] =	ssyncadd.s32 $0xFFFFC000  }
0x90: {  	[tilespmem:s5], [sflag:$0x4] =	stream.indirect.gather [hbm4b:s1+s23], $0x80, s30, s23, $0xb8;
	[tilespmem:$0x1D900] =	vst v63  }
0x91: {  	_ =	swait.ge [sflag:s13], $0x4000  }
0x92: {  	[sflag:s13] =	ssyncset.done $0x0  }
0x93: {  	s8 =	simm.s32 $0x15900;
	[sflag:s13] =	ssyncadd.s32 $0xFFFFC000  }
0x94: {  	[hbm4b:s16+s4] =	stream.linear.scatter [tilespmem:s8], [sflag:$0xD], $0x4000, $0x38;
	[tilespmem:$0x1D900] =	vst v63  }
0x95: {  	_ =	swait.ge [sflag:s14], $0x4000  }
0x96: {  	[sflag:s14] =	ssyncset.done $0x0  }
0x97: {  	s30 =	sadd.s32 $0x580, s25;
	s5 =	simm.s32 $0x11900;
	[sflag:s14] =	ssyncadd.s32 $0xFFFFC000  }
0x98: {  	[tilespmem:s7], [sflag:$0x5] =	stream.indirect.gather [hbm4b:s1+s23], $0x80, s30, s23, $0xb8;
	[tilespmem:$0x1D900] =	vst v63  }
0x99: {  	_ =	swait.ge [sflag:s6], $0x4000  }
0x9a: {  	[sflag:s6] =	ssyncset.done $0x0  }
0x9b: {  	[sflag:s6] =	ssyncadd.s32 $0xFFFFC000  }
0x9c: {  	[hbm4b:s24+s4] =	stream.linear.scatter [tilespmem:s9], [sflag:$0xE], $0x4000, $0x38;
	[tilespmem:$0x1D900] =	vst v63  }
0x9d: {  	_ =	swait.ge [sflag:s22], $0x4000  }
0x9e: {  	[sflag:s22] =	ssyncset.done $0x0  }
0x9f: {  	s30 =	sadd.s32 $0x600, s25;
	[sflag:s22] =	ssyncadd.s32 $0xFFFFC000  }
0xa0: {  	[tilespmem:s8], [sflag:$0x6] =	stream.indirect.gather [hbm4b:s1+s23], $0x80, s30, s23, $0xb8;
	[tilespmem:$0x1D900] =	vst v63  }
0xa1: {  	s7 =	simm.s32 $0x15900;
	s30 =	smov.u32 s2;
	s2 =	simm.s32 $0x1  }
0xa2: {  	s18 =	sadd.s32 $0x380000, s18;
	_ =	swait.ge [sflag:s2], $0x4000  }
0xa3: {  	s28 =	sshrl.u32 s28, $0x3;
	s19 =	sadd.s32 $0x70000, s19;
	[sflag:s2] =	ssyncset.done $0x0  }
.Ltmp0:
0xa4: {  	s28 =	sadd.s32 s30, s28;
	[sflag:s2] =	ssyncadd.s32 $0xFFFFC000;
	(pc) =	sbr.rel @p0 .LBB2_2-.Ltmp0, $4  }
0xa5: {  	[hbm4b:s28+s4] =	stream.linear.scatter [tilespmem:s26], [sflag:$0x8], $0x4000, $0x38;
	[tilespmem:$0x1D900] =	vst v63  }
0xa6: {  	s21 =	sadd.s32 $0x70000, s21;
	s20 =	sadd.s32 $0x70000, s20;
	_ =	swait.ge [sflag:s15], $0x4000  }
0xa7: {  	s3 =	sadd.s32 $0x70000, s3;
	s16 =	sadd.s32 $0x70000, s16;
	[sflag:s15] =	ssyncset.done $0x0  }
0xa8: {  	s25 =	sadd.s32 $0x680, s25;
	s24 =	sadd.s32 $0x70000, s24;
	[sflag:s15] =	ssyncadd.s32 $0xFFFFC000  }
0xa9: {  	s8 =	simm.s32 $0x19900;
	s2 =	simm.s32 $0x2  }
0xaa: {  	[tilespmem:s8], [sflag:$0x7] =	stream.indirect.gather [hbm4b:s1+s23], $0x80, s25, s23, $0xb8;
	[tilespmem:$0x1D900] =	vst v63  }
0xab: {  	_ =	swait.ge [sflag:s2], $0x4000  }
0xac: {  	[sflag:s2] =	ssyncset.done $0x0  }
0xad: {  	s9 =	simm.s32 $0x8;
	s21 =	rddreg [dreg:$0x6];
	[sflag:s2] =	ssyncadd.s32 $0xFFFFC000  }
0xae: {  	[hbm4b:s21+s4] =	stream.linear.scatter [tilespmem:s31], [sflag:$0x9], $0x4000, $0x38;
	[tilespmem:$0x1D900] =	vst v63  }
0xaf: {  	_ =	swait.ge [sflag:s9], $0x4000  }
0xb0: {  	s3 =	simm.s32 $0x1900;
	[sflag:s9] =	ssyncset.done $0x0  }
0xb1: {  	s24 =	simm.s32 $0x1880;
	s25 =	simm.s32 $0x3;
	[sflag:s9] =	ssyncadd.s32 $0xFFFFC000  }
0xb2: {  	[tilespmem:s3], [sflag:$0x1] =	stream.indirect.gather [hbm4b:s1+s23], $0x80, s24, s23, $0xb8;
	[tilespmem:$0x1D900] =	vst v63  }
0xb3: {  	_ =	swait.ge [sflag:s25], $0x4000  }
0xb4: {  	[sflag:s25] =	ssyncset.done $0x0  }
0xb5: {  	s16 =	simm.s32 $0x4;
	s28 =	rddreg [dreg:$0x7];
	[sflag:s25] =	ssyncadd.s32 $0xFFFFC000  }
0xb6: {  	[hbm4b:s28+s4] =	stream.linear.scatter [tilespmem:s0], [sflag:$0xA], $0x4000, $0x38;
	[tilespmem:$0x1D900] =	vst v63  }
0xb7: {  	_ =	swait.ge [sflag:s16], $0x4000  }
0xb8: {  	[sflag:s16] =	ssyncset.done $0x0  }
0xb9: {  	s17 =	rddreg [dreg:$0x8];
	[sflag:s16] =	ssyncadd.s32 $0xFFFFC000  }
0xba: {  	[hbm4b:s17+s4] =	stream.linear.scatter [tilespmem:s29], [sflag:$0xB], $0x4000, $0x38;
	[tilespmem:$0x1D900] =	vst v63  }
0xbb: {  	_ =	swait.ge [sflag:s11], $0x4000  }
0xbc: {  	[sflag:s11] =	ssyncset.done $0x0  }
0xbd: {  	s18 =	rddreg [dreg:$0x9];
	[sflag:s11] =	ssyncadd.s32 $0xFFFFC000  }
0xbe: {  	[hbm4b:s18+s4] =	stream.linear.scatter [tilespmem:s5], [sflag:$0xC], $0x4000, $0x38;
	[tilespmem:$0x1D900] =	vst v63  }
0xbf: {  	_ =	swait.ge [sflag:s13], $0x4000  }
0xc0: {  	[sflag:s13] =	ssyncset.done $0x0  }
0xc1: {  	s19 =	rddreg [dreg:$0xa];
	[sflag:s13] =	ssyncadd.s32 $0xFFFFC000  }
0xc2: {  	[hbm4b:s19+s4] =	stream.linear.scatter [tilespmem:s7], [sflag:$0xD], $0x4000, $0x38;
	[tilespmem:$0x1D900] =	vst v63  }
0xc3: {  	_ =	swait.ge [sflag:s6], $0x4000  }
0xc4: {  	[sflag:s6] =	ssyncset.done $0x0  }
0xc5: {  	s21 =	simm.s32 $0x1;
	s20 =	rddreg [dreg:$0xb];
	[sflag:s6] =	ssyncadd.s32 $0xFFFFC000  }
0xc6: {  	[hbm4b:s20+s4] =	stream.linear.scatter [tilespmem:s8], [sflag:$0xE], $0x4000, $0x38;
	[tilespmem:$0x1D900] =	vst v63  }
0xc7: {  	_ =	swait.ge [sflag:s21], $0x4000  }
0xc8: {  	[sflag:s21] =	ssyncset.done $0x0  }
0xc9: {  	s25 =	simm.s32 $0x9;
	s24 =	rddreg [dreg:$0xc];
	[sflag:s21] =	ssyncadd.s32 $0xFFFFC000  }
0xca: {  	[hbm4b:s24+s4] =	stream.linear.scatter [tilespmem:s3], [sflag:$0x8], $0x4000, $0x38;
	[tilespmem:$0x1D900] =	vst v63  }
0xcb: {  	_ =	swait.ge [sflag:s25], $0x4000  }
0xcc: {  	[sflag:s25] =	ssyncset.done $0x0  }
0xcd: {  	[sflag:s25] =	ssyncadd.s32 $0xFFFFC000  }
0xce: {  	_ =	swait.ge [sflag:s10], $0x4000  }
0xcf: {  	[sflag:s10] =	ssyncset.done $0x0  }
0xd0: {  	[sflag:s10] =	ssyncadd.s32 $0xFFFFC000  }
0xd1: {  	_ =	swait.ge [sflag:s12], $0x4000  }
0xd2: {  	[sflag:s12] =	ssyncset.done $0x0  }
0xd3: {  	[sflag:s12] =	ssyncadd.s32 $0xFFFFC000  }
0xd4: {  	_ =	swait.ge [sflag:s14], $0x4000  }
0xd5: {  	[sflag:s14] =	ssyncset.done $0x0  }
0xd6: {  	[sflag:s14] =	ssyncadd.s32 $0xFFFFC000  }
0xd7: {  	_ =	swait.ge [sflag:s22], $0x4000  }
0xd8: {  	[sflag:s22] =	ssyncset.done $0x0  }
0xd9: {  	[sflag:s22] =	ssyncadd.s32 $0xFFFFC000  }
0xda: {  	_ =	swait.ge [sflag:s15], $0x4000  }
0xdb: {  	[sflag:s15] =	ssyncset.done $0x0  }
0xdc: {  	[sflag:s15] =	ssyncadd.s32 $0xFFFFC000  }
0xdd: {  	_ =	swait.ge [sflag:s9], $0x4000  }
0xde: {  	s28 =	rddreg [dreg:$0x15]  }
0xdf: {  	s29 =	rddreg [dreg:$0xd];
	s0 =	sadd.s32 $0x1, s28  }
0xe0: {  	p0 =	sne.s32 s0, s29  }
.Ltmp1:
0xe1: {  	_ = 	snop;
	(pc) =	sbr.rel @p0 .LBB2_1-.Ltmp1, $3  }
0xe2: {  	_ =	sdelay $0x1  }
0xe3: {  	[sflag:s9] =	ssyncset.done $0x0  }
0xe4: {  	[sflag:s9] =	ssyncadd.s32 $0xFFFFC000  }
0xe5: {  	_ =	sfence.sel $0x180000  }
0xe6: {  	[bflag:$0x0] =	sbarrier.arrive $0xFFFF  }
0xe7: {  	_ =	strace $0x90000047  }
0xe8: {  	s0 =	stileid.u32;
	[bflag:$0x2] =	sbarrier.arrive $0xFFFF  }
0xe9: {  	p0 =	sne.s32 s0, $0x0;
	s0 =	rddreg [dreg:$0x3]  }
0xea: {  	s0 =	sadd.s32 @!p0 $0x100000, s0  }
0xeb: {  	[sflag:s0] =	ssyncadd.tile.s32 @!p0 $0x1;
	_ =	shalt  }
.Lfunc_end2:
_tile_overlayer_lowered:
.L_overlay_start_2:
0xec: {  	(tag) =	ssettag $0x2  }
0xed: {  	s0 =	rddreg [dreg:$0x0];
	s2 =	stileid.u32  }
0xee: {  	s1 =	rddreg [dreg:$0x1];
	p0 =	sne.s32 s2, $0x0  }
0xef: {  	s3 =	rddreg [dreg:$0x2];
	[bflag:$0x3] =	sbarrier.arrive $0xFFFF;
	s2 =	simm.s32 @!p0 $0x1C0F  }
0xf0: {  	[timem:s3], [sflag:s2] =	dma.local @!p0 [hbm:s0], s1  }
0xf1: {  	s0 =	simm.s32 @!p0 $0xF  }
0xf2: {  	_ =	swait.ge @!p0 [sflag:s0], s1  }
0xf3: {  	s1 =	ssub.s32 @!p0 $0x0, s1;
	[sflag:s0] =	ssyncset.done @!p0 $0x0  }
0xf4: {  	[sflag:s0] =	ssyncadd.s32 @!p0 s1  }
0xf5: {  	[bflag:$0x3] =	sbarrier.arrive $0xFFFF  }
0xf6: {  	_ =	shalt  }

</sc_bundles>
